<compile_context>
chip_gen: v7x
topology: tpu7x:2x2x1
jax: 0.10.2.dev20260603
libtpu: 0.0.44.dev20260713+nightly
codegen_flags: <defaults>
</compile_context>

<pallas_src>
import functools
import jax
import jax.numpy as jnp
from jax import lax
from jax.experimental import pallas as pl
from jax.experimental.pallas import tpu as pltpu
from jax.experimental.pallas import tpu_sc as plsc

_B, _T, _D = 4, 8192, 1024
_N = _B * _T
_NC, _NS = 2, 16
_NW = _NC * _NS
_B_PER_W = _N // _NW
_CHUNK = 8
_NCHUNK = _B_PER_W // _CHUNK
_NBUF = 8
_SHIFT = 4


@functools.partial(
    pl.kernel,
    mesh=plsc.VectorSubcoreMesh(core_axis_name="c", subcore_axis_name="s"),
    out_type=jax.ShapeDtypeStruct((_N, _D), jnp.float32),
    scratch_types=[
        pltpu.VMEM((_B_PER_W,), jnp.int32),
        pltpu.VMEM((_NBUF, _CHUNK, _D), jnp.float32),
    ] + [pltpu.SemaphoreType.DMA] * (2 * _NBUF),
)
def _gather_rows(pos_hbm, pe_hbm, out_hbm, idx_v, rows_v, *sems):
    wid = lax.axis_index("s") * _NC + lax.axis_index("c")
    base = wid * _B_PER_W
    pltpu.sync_copy(pos_hbm.at[pl.ds(base, _B_PER_W)], idx_v)

    gsems = sems[:_NBUF]
    osems = sems[_NBUF:]

    def start_gather(j, b):
        off = pl.multiple_of(j * _CHUNK, _CHUNK)
        pltpu.async_copy(
            pe_hbm.at[idx_v.at[pl.ds(off, _CHUNK)]],
            rows_v.at[b],
            gsems[b],
        )

    def wait_gather(b):
        pltpu.make_async_copy(pe_hbm.at[idx_v.at[pl.ds(0, _CHUNK)]],
                              rows_v.at[b], gsems[b]).wait()

    def start_out(j, b):
        off = pl.multiple_of(base + j * _CHUNK, _CHUNK)
        pltpu.async_copy(
            rows_v.at[b],
            out_hbm.at[pl.ds(off, _CHUNK)],
            osems[b],
        )

    def wait_out(b):
        pltpu.make_async_copy(rows_v.at[b],
                              out_hbm.at[pl.ds(0, _CHUNK)], osems[b]).wait()


    for j in range(_SHIFT):
        start_gather(j, j % _NBUF)
    for j in range(_SHIFT):
        b = j % _NBUF
        c = (j + _SHIFT) % _NBUF
        start_gather(j + _SHIFT, c)
        wait_gather(b)
        start_out(j, b)

    n_steady = _NCHUNK - 2 * _SHIFT
    assert n_steady % _NBUF == 0

    def body(g, _):
        j0 = _SHIFT + g * _NBUF
        for k in range(_NBUF):
            j = j0 + k
            b = (_SHIFT + k) % _NBUF
            c = k % _NBUF
            wait_out(c)
            start_gather(j + _SHIFT, c)
            wait_gather(b)
            start_out(j, b)
        return ()

    lax.fori_loop(0, n_steady // _NBUF, body, (), unroll=False)

    for j in range(_NCHUNK - _SHIFT, _NCHUNK):
        b = j % _NBUF
        c = (j + _SHIFT) % _NBUF
        wait_out(c)
        wait_gather(b)
        start_out(j, b)
    for j in range(_NCHUNK - _SHIFT, _NCHUNK):
        wait_out(j % _NBUF)


def kernel(x, pe, positions):
    flat_pos = positions.reshape(_N)
    out = _gather_rows(flat_pos, pe)
    return out.reshape(_B, _T, _D).astype(x.dtype)

# --- scband reference (transcript-rebuilt; emitter-appended) ---
"""Pipeline reference for scband-sinusoidal-positional-embedding-2302102470797 (READ-ONLY COPY).

The authoritative reference and input builder live on the scoring server;
editing this copy changes nothing except your own understanding.
"""

import math
import jax, jax.numpy as jnp
import numpy as np


def _build_table(max_len, dim):
    position = np.arange(max_len, dtype=np.float32)[:, None]
    div_term = np.exp(np.arange(0, dim, 2, dtype=np.float32) * (-math.log(10000.0) / dim))
    pe = np.zeros((max_len, dim), dtype=np.float32)
    pe[:, 0::2] = np.sin(position * div_term)
    if dim > 1:
        pe[:, 1::2] = np.cos(position * div_term[: pe[:, 1::2].shape[1]])
    return jnp.asarray(pe)


def setup_inputs(seed: int = 0):
    key = jax.random.key(seed)
    k1, k2 = jax.random.split(key)
    x = jax.random.normal(k1, (4, 8192, 1024), dtype=jnp.float32)
    positions = jax.random.randint(k2, (4, 8192), 0, 8192, dtype=jnp.int32)
    pe = _build_table(8192, 1024)
    return {"x": x, "pe": pe, "positions": positions}


def reference(x, pe, positions):
    # positions.dim() == 2 branch of the torch module: pe[positions] -> (B, T, D)
    pos_emb = jnp.take(pe, positions, axis=0).astype(x.dtype)
    # batch_first=True with 2-D positions: return pos_emb directly
    return pos_emb

if __name__ == "__main__":
    import jax
    _d = setup_inputs()
    print(jax.jit(kernel)(*tuple(_d.values())))

</pallas_src>

<mosaic_0001>
#map = affine_map<(d0, d1) -> (0)>
#map1 = affine_map<(d0, d1) -> (0, 0)>
module attributes {stable_mosaic.version = 14 : i64} {
  func.func @_gather_rows(%arg0: i32, %arg1: i32, %arg2: memref<32768xi32, #tpu.memory_space<hbm>>, %arg3: memref<8192x1024xf32, #tpu.memory_space<hbm>>, %arg4: memref<32768x1024xf32, #tpu.memory_space<hbm>>, %arg5: memref<1024xi32, #tpu.memory_space<vmem>>, %arg6: memref<8x8x1024xf32, #tpu.memory_space<vmem>>, %arg7: memref<!tpu.dma_semaphore, #tpu.memory_space<semaphore_mem>>, %arg8: memref<!tpu.dma_semaphore, #tpu.memory_space<semaphore_mem>>, %arg9: memref<!tpu.dma_semaphore, #tpu.memory_space<semaphore_mem>>, %arg10: memref<!tpu.dma_semaphore, #tpu.memory_space<semaphore_mem>>, %arg11: memref<!tpu.dma_semaphore, #tpu.memory_space<semaphore_mem>>, %arg12: memref<!tpu.dma_semaphore, #tpu.memory_space<semaphore_mem>>, %arg13: memref<!tpu.dma_semaphore, #tpu.memory_space<semaphore_mem>>, %arg14: memref<!tpu.dma_semaphore, #tpu.memory_space<semaphore_mem>>, %arg15: memref<!tpu.dma_semaphore, #tpu.memory_space<semaphore_mem>>, %arg16: memref<!tpu.dma_semaphore, #tpu.memory_space<semaphore_mem>>, %arg17: memref<!tpu.dma_semaphore, #tpu.memory_space<semaphore_mem>>, %arg18: memref<!tpu.dma_semaphore, #tpu.memory_space<semaphore_mem>>, %arg19: memref<!tpu.dma_semaphore, #tpu.memory_space<semaphore_mem>>, %arg20: memref<!tpu.dma_semaphore, #tpu.memory_space<semaphore_mem>>, %arg21: memref<!tpu.dma_semaphore, #tpu.memory_space<semaphore_mem>>, %arg22: memref<!tpu.dma_semaphore, #tpu.memory_space<semaphore_mem>>) attributes {dimension_semantics = [#tpu.dimension_semantics<core_parallel>, #tpu.dimension_semantics<subcore_parallel>], iteration_bounds = array<i64: 2, 16>, scalar_prefetch = 0 : i64, scratch_operands = 18 : i64, tpu.core_type = #tpu.core_type<sc_vector_subcore>, window_params = [{transform_indices = #map}, {transform_indices = #map1}, {transform_indices = #map1}]} {
    %mul3A = arith.constant 2 : i32
    %mul3A_0 = arith.muli %arg1, %mul3A : i32
    %add3A = arith.addi %mul3A_0, %arg0 : i32
    %mul3A_1 = arith.constant 1024 : i32
    %mul3A_2 = arith.muli %add3A, %mul3A_1 : i32
    "tpu.region"() ({
      %run_scoped3A = tpu.sem_alloc : memref<!tpu.dma_semaphore, #tpu.memory_space<semaphore_mem>>
      %dma_start3A_420 = tpu.memref_slice %arg2[%mul3A_2] : memref<32768xi32, #tpu.memory_space<hbm>> -> memref<1024xi32, #tpu.memory_space<hbm>>
      %dma_start3A_421 = tpu.memref_slice %arg2[%mul3A_2] : memref<32768xi32, #tpu.memory_space<hbm>> -> memref<1024xi32, #tpu.memory_space<hbm>>
      tpu.enqueue_dma source(%dma_start3A_421 : memref<1024xi32, #tpu.memory_space<hbm>>) target(%arg5 : memref<1024xi32, #tpu.memory_space<vmem>>) target_semaphore(%run_scoped3A : memref<!tpu.dma_semaphore, #tpu.memory_space<semaphore_mem>>)
      %dma_wait3A_422 = tpu.memref_slice %arg2[%mul3A_2] : memref<32768xi32, #tpu.memory_space<hbm>> -> memref<1024xi32, #tpu.memory_space<hbm>>
      %dma_wait3A_423 = tpu.memref_slice %arg2[%mul3A_2] : memref<32768xi32, #tpu.memory_space<hbm>> -> memref<1024xi32, #tpu.memory_space<hbm>>
      tpu.wait_dma2 semaphore(%run_scoped3A : memref<!tpu.dma_semaphore, #tpu.memory_space<semaphore_mem>>) src(%dma_wait3A_423 : memref<1024xi32, #tpu.memory_space<hbm>>) dst(%arg5 : memref<1024xi32, #tpu.memory_space<vmem>>)
      tpu.yield
    }) : () -> ()
    %multiple_of3A = arith.constant 0 : i32
    %multiple_of3A_3 = tpu.assume_multiple %multiple_of3A, 8 : i32
    %dma_start3A = arith.constant 0 : i32
    %dma_start3A_4 = arith.constant 0 : i32
    %dma_start3A_5 = arith.constant 0 : i32
    %dma_start3A_6 = tpu.memref_slice %arg6[%dma_start3A, %dma_start3A_4, %dma_start3A_5] : memref<8x8x1024xf32, #tpu.memory_space<vmem>> -> memref<1x8x1024xf32, #tpu.memory_space<vmem>>
    %dma_start3A_7 = tpu.memref_squeeze %dma_start3A_6 : memref<1x8x1024xf32, #tpu.memory_space<vmem>> -> memref<8x1024xf32, #tpu.memory_space<vmem>>
    %dma_start3A_8 = tpu.memref_slice %arg5[%multiple_of3A_3] : memref<1024xi32, #tpu.memory_space<vmem>> -> memref<8xi32, #tpu.memory_space<vmem>>
    %dma_start3A_9 = arith.constant 0 : i32
    %dma_start3A_10 = arith.constant 0 : i32
    %dma_start3A_11 = tpu.memref_slice %arg3[%dma_start3A_9, %dma_start3A_10] : memref<8192x1024xf32, #tpu.memory_space<hbm>> -> memref<8192x1024xf32, #tpu.memory_space<hbm>>
    tpu.enqueue_indirect_dma source(%dma_start3A_11 : memref<8192x1024xf32, #tpu.memory_space<hbm>>) target(%dma_start3A_7 : memref<8x1024xf32, #tpu.memory_space<vmem>>) offsets(%dma_start3A_8 : memref<8xi32, #tpu.memory_space<vmem>>) semaphore(%arg7 : memref<!tpu.dma_semaphore, #tpu.memory_space<semaphore_mem>>)
    %multiple_of3A_12 = arith.constant 8 : i32
    %multiple_of3A_13 = tpu.assume_multiple %multiple_of3A_12, 8 : i32
    %dma_start3A_14 = arith.constant 1 : i32
    %dma_start3A_15 = arith.constant 0 : i32
    %dma_start3A_16 = arith.constant 0 : i32
    %dma_start3A_17 = tpu.memref_slice %arg6[%dma_start3A_14, %dma_start3A_15, %dma_start3A_16] : memref<8x8x1024xf32, #tpu.memory_space<vmem>> -> memref<1x8x1024xf32, #tpu.memory_space<vmem>>
    %dma_start3A_18 = tpu.memref_squeeze %dma_start3A_17 : memref<1x8x1024xf32, #tpu.memory_space<vmem>> -> memref<8x1024xf32, #tpu.memory_space<vmem>>
    %dma_start3A_19 = tpu.memref_slice %arg5[%multiple_of3A_13] : memref<1024xi32, #tpu.memory_space<vmem>> -> memref<8xi32, #tpu.memory_space<vmem>>
    %dma_start3A_20 = arith.constant 0 : i32
    %dma_start3A_21 = arith.constant 0 : i32
    %dma_start3A_22 = tpu.memref_slice %arg3[%dma_start3A_20, %dma_start3A_21] : memref<8192x1024xf32, #tpu.memory_space<hbm>> -> memref<8192x1024xf32, #tpu.memory_space<hbm>>
    tpu.enqueue_indirect_dma source(%dma_start3A_22 : memref<8192x1024xf32, #tpu.memory_space<hbm>>) target(%dma_start3A_18 : memref<8x1024xf32, #tpu.memory_space<vmem>>) offsets(%dma_start3A_19 : memref<8xi32, #tpu.memory_space<vmem>>) semaphore(%arg8 : memref<!tpu.dma_semaphore, #tpu.memory_space<semaphore_mem>>)
    %multiple_of3A_23 = arith.constant 16 : i32
    %multiple_of3A_24 = tpu.assume_multiple %multiple_of3A_23, 8 : i32
    %dma_start3A_25 = arith.constant 2 : i32
    %dma_start3A_26 = arith.constant 0 : i32
    %dma_start3A_27 = arith.constant 0 : i32
    %dma_start3A_28 = tpu.memref_slice %arg6[%dma_start3A_25, %dma_start3A_26, %dma_start3A_27] : memref<8x8x1024xf32, #tpu.memory_space<vmem>> -> memref<1x8x1024xf32, #tpu.memory_space<vmem>>
    %dma_start3A_29 = tpu.memref_squeeze %dma_start3A_28 : memref<1x8x1024xf32, #tpu.memory_space<vmem>> -> memref<8x1024xf32, #tpu.memory_space<vmem>>
    %dma_start3A_30 = tpu.memref_slice %arg5[%multiple_of3A_24] : memref<1024xi32, #tpu.memory_space<vmem>> -> memref<8xi32, #tpu.memory_space<vmem>>
    %dma_start3A_31 = arith.constant 0 : i32
    %dma_start3A_32 = arith.constant 0 : i32
    %dma_start3A_33 = tpu.memref_slice %arg3[%dma_start3A_31, %dma_start3A_32] : memref<8192x1024xf32, #tpu.memory_space<hbm>> -> memref<8192x1024xf32, #tpu.memory_space<hbm>>
    tpu.enqueue_indirect_dma source(%dma_start3A_33 : memref<8192x1024xf32, #tpu.memory_space<hbm>>) target(%dma_start3A_29 : memref<8x1024xf32, #tpu.memory_space<vmem>>) offsets(%dma_start3A_30 : memref<8xi32, #tpu.memory_space<vmem>>) semaphore(%arg9 : memref<!tpu.dma_semaphore, #tpu.memory_space<semaphore_mem>>)
    %multiple_of3A_34 = arith.constant 24 : i32
    %multiple_of3A_35 = tpu.assume_multiple %multiple_of3A_34, 8 : i32
    %dma_start3A_36 = arith.constant 3 : i32
    %dma_start3A_37 = arith.constant 0 : i32
    %dma_start3A_38 = arith.constant 0 : i32
    %dma_start3A_39 = tpu.memref_slice %arg6[%dma_start3A_36, %dma_start3A_37, %dma_start3A_38] : memref<8x8x1024xf32, #tpu.memory_space<vmem>> -> memref<1x8x1024xf32, #tpu.memory_space<vmem>>
    %dma_start3A_40 = tpu.memref_squeeze %dma_start3A_39 : memref<1x8x1024xf32, #tpu.memory_space<vmem>> -> memref<8x1024xf32, #tpu.memory_space<vmem>>
    %dma_start3A_41 = tpu.memref_slice %arg5[%multiple_of3A_35] : memref<1024xi32, #tpu.memory_space<vmem>> -> memref<8xi32, #tpu.memory_space<vmem>>
    %dma_start3A_42 = arith.constant 0 : i32
    %dma_start3A_43 = arith.constant 0 : i32
    %dma_start3A_44 = tpu.memref_slice %arg3[%dma_start3A_42, %dma_start3A_43] : memref<8192x1024xf32, #tpu.memory_space<hbm>> -> memref<8192x1024xf32, #tpu.memory_space<hbm>>
    tpu.enqueue_indirect_dma source(%dma_start3A_44 : memref<8192x1024xf32, #tpu.memory_space<hbm>>) target(%dma_start3A_40 : memref<8x1024xf32, #tpu.memory_space<vmem>>) offsets(%dma_start3A_41 : memref<8xi32, #tpu.memory_space<vmem>>) semaphore(%arg10 : memref<!tpu.dma_semaphore, #tpu.memory_space<semaphore_mem>>)
    %multiple_of3A_45 = arith.constant 32 : i32
    %multiple_of3A_46 = tpu.assume_multiple %multiple_of3A_45, 8 : i32
    %dma_start3A_47 = arith.constant 4 : i32
    %dma_start3A_48 = arith.constant 0 : i32
    %dma_start3A_49 = arith.constant 0 : i32
    %dma_start3A_50 = tpu.memref_slice %arg6[%dma_start3A_47, %dma_start3A_48, %dma_start3A_49] : memref<8x8x1024xf32, #tpu.memory_space<vmem>> -> memref<1x8x1024xf32, #tpu.memory_space<vmem>>
    %dma_start3A_51 = tpu.memref_squeeze %dma_start3A_50 : memref<1x8x1024xf32, #tpu.memory_space<vmem>> -> memref<8x1024xf32, #tpu.memory_space<vmem>>
    %dma_start3A_52 = tpu.memref_slice %arg5[%multiple_of3A_46] : memref<1024xi32, #tpu.memory_space<vmem>> -> memref<8xi32, #tpu.memory_space<vmem>>
    %dma_start3A_53 = arith.constant 0 : i32
    %dma_start3A_54 = arith.constant 0 : i32
    %dma_start3A_55 = tpu.memref_slice %arg3[%dma_start3A_53, %dma_start3A_54] : memref<8192x1024xf32, #tpu.memory_space<hbm>> -> memref<8192x1024xf32, #tpu.memory_space<hbm>>
    tpu.enqueue_indirect_dma source(%dma_start3A_55 : memref<8192x1024xf32, #tpu.memory_space<hbm>>) target(%dma_start3A_51 : memref<8x1024xf32, #tpu.memory_space<vmem>>) offsets(%dma_start3A_52 : memref<8xi32, #tpu.memory_space<vmem>>) semaphore(%arg11 : memref<!tpu.dma_semaphore, #tpu.memory_space<semaphore_mem>>)
    %dma_wait3A = arith.constant 0 : i32
    %dma_wait3A_56 = arith.constant 0 : i32
    %dma_wait3A_57 = arith.constant 0 : i32
    %dma_wait3A_58 = tpu.memref_slice %arg6[%dma_wait3A, %dma_wait3A_56, %dma_wait3A_57] : memref<8x8x1024xf32, #tpu.memory_space<vmem>> -> memref<1x8x1024xf32, #tpu.memory_space<vmem>>
    %dma_wait3A_59 = tpu.memref_squeeze %dma_wait3A_58 : memref<1x8x1024xf32, #tpu.memory_space<vmem>> -> memref<8x1024xf32, #tpu.memory_space<vmem>>
    %dma_wait3A_60 = arith.constant 0 : i32
    %dma_wait3A_61 = tpu.memref_slice %arg5[%dma_wait3A_60] : memref<1024xi32, #tpu.memory_space<vmem>> -> memref<8xi32, #tpu.memory_space<vmem>>
    %dma_wait3A_62 = arith.constant 0 : i32
    %dma_wait3A_63 = arith.constant 0 : i32
    %dma_wait3A_64 = tpu.memref_slice %arg3[%dma_wait3A_62, %dma_wait3A_63] : memref<8192x1024xf32, #tpu.memory_space<hbm>> -> memref<8192x1024xf32, #tpu.memory_space<hbm>>
    tpu.wait_indirect_dma semaphore(%arg7 : memref<!tpu.dma_semaphore, #tpu.memory_space<semaphore_mem>>) src(%dma_wait3A_64 : memref<8192x1024xf32, #tpu.memory_space<hbm>>) dst(%dma_wait3A_59 : memref<8x1024xf32, #tpu.memory_space<vmem>>)
    %add3A_65 = arith.constant 0 : i32
    %add3A_66 = arith.addi %mul3A_2, %add3A_65 : i32
    %multiple_of3A_67 = tpu.assume_multiple %add3A_66, 8 : i32
    %dma_start3A_68 = arith.constant 0 : i32
    %dma_start3A_69 = arith.constant 0 : i32
    %dma_start3A_70 = arith.constant 0 : i32
    %dma_start3A_71 = tpu.memref_slice %arg6[%dma_start3A_68, %dma_start3A_69, %dma_start3A_70] : memref<8x8x1024xf32, #tpu.memory_space<vmem>> -> memref<1x8x1024xf32, #tpu.memory_space<vmem>>
    %dma_start3A_72 = tpu.memref_squeeze %dma_start3A_71 : memref<1x8x1024xf32, #tpu.memory_space<vmem>> -> memref<8x1024xf32, #tpu.memory_space<vmem>>
    %dma_start3A_73 = arith.constant 0 : i32
    %dma_start3A_74 = tpu.memref_slice %arg4[%multiple_of3A_67, %dma_start3A_73] : memref<32768x1024xf32, #tpu.memory_space<hbm>> -> memref<8x1024xf32, #tpu.memory_space<hbm>>
    %dma_start3A_75 = arith.constant 0 : i32
    %dma_start3A_76 = tpu.memref_slice %arg4[%multiple_of3A_67, %dma_start3A_75] : memref<32768x1024xf32, #tpu.memory_space<hbm>> -> memref<8x1024xf32, #tpu.memory_space<hbm>>
    %dma_start3A_77 = arith.constant 0 : i32
    %dma_start3A_78 = arith.constant 0 : i32
    %dma_start3A_79 = tpu.memref_slice %arg6[%dma_start3A_68, %dma_start3A_77, %dma_start3A_78] : memref<8x8x1024xf32, #tpu.memory_space<vmem>> -> memref<1x8x1024xf32, #tpu.memory_space<vmem>>
    %dma_start3A_80 = tpu.memref_squeeze %dma_start3A_79 : memref<1x8x1024xf32, #tpu.memory_space<vmem>> -> memref<8x1024xf32, #tpu.memory_space<vmem>>
    tpu.enqueue_dma source(%dma_start3A_80 : memref<8x1024xf32, #tpu.memory_space<vmem>>) target(%dma_start3A_76 : memref<8x1024xf32, #tpu.memory_space<hbm>>) target_semaphore(%arg15 : memref<!tpu.dma_semaphore, #tpu.memory_space<semaphore_mem>>)
    %multiple_of3A_81 = arith.constant 40 : i32
    %multiple_of3A_82 = tpu.assume_multiple %multiple_of3A_81, 8 : i32
    %dma_start3A_83 = arith.constant 5 : i32
    %dma_start3A_84 = arith.constant 0 : i32
    %dma_start3A_85 = arith.constant 0 : i32
    %dma_start3A_86 = tpu.memref_slice %arg6[%dma_start3A_83, %dma_start3A_84, %dma_start3A_85] : memref<8x8x1024xf32, #tpu.memory_space<vmem>> -> memref<1x8x1024xf32, #tpu.memory_space<vmem>>
    %dma_start3A_87 = tpu.memref_squeeze %dma_start3A_86 : memref<1x8x1024xf32, #tpu.memory_space<vmem>> -> memref<8x1024xf32, #tpu.memory_space<vmem>>
    %dma_start3A_88 = tpu.memref_slice %arg5[%multiple_of3A_82] : memref<1024xi32, #tpu.memory_space<vmem>> -> memref<8xi32, #tpu.memory_space<vmem>>
    %dma_start3A_89 = arith.constant 0 : i32
    %dma_start3A_90 = arith.constant 0 : i32
    %dma_start3A_91 = tpu.memref_slice %arg3[%dma_start3A_89, %dma_start3A_90] : memref<8192x1024xf32, #tpu.memory_space<hbm>> -> memref<8192x1024xf32, #tpu.memory_space<hbm>>
    tpu.enqueue_indirect_dma source(%dma_start3A_91 : memref<8192x1024xf32, #tpu.memory_space<hbm>>) target(%dma_start3A_87 : memref<8x1024xf32, #tpu.memory_space<vmem>>) offsets(%dma_start3A_88 : memref<8xi32, #tpu.memory_space<vmem>>) semaphore(%arg12 : memref<!tpu.dma_semaphore, #tpu.memory_space<semaphore_mem>>)
    %dma_wait3A_92 = arith.constant 1 : i32
    %dma_wait3A_93 = arith.constant 0 : i32
    %dma_wait3A_94 = arith.constant 0 : i32
    %dma_wait3A_95 = tpu.memref_slice %arg6[%dma_wait3A_92, %dma_wait3A_93, %dma_wait3A_94] : memref<8x8x1024xf32, #tpu.memory_space<vmem>> -> memref<1x8x1024xf32, #tpu.memory_space<vmem>>
    %dma_wait3A_96 = tpu.memref_squeeze %dma_wait3A_95 : memref<1x8x1024xf32, #tpu.memory_space<vmem>> -> memref<8x1024xf32, #tpu.memory_space<vmem>>
    %dma_wait3A_97 = arith.constant 0 : i32
    %dma_wait3A_98 = tpu.memref_slice %arg5[%dma_wait3A_97] : memref<1024xi32, #tpu.memory_space<vmem>> -> memref<8xi32, #tpu.memory_space<vmem>>
    %dma_wait3A_99 = arith.constant 0 : i32
    %dma_wait3A_100 = arith.constant 0 : i32
    %dma_wait3A_101 = tpu.memref_slice %arg3[%dma_wait3A_99, %dma_wait3A_100] : memref<8192x1024xf32, #tpu.memory_space<hbm>> -> memref<8192x1024xf32, #tpu.memory_space<hbm>>
    tpu.wait_indirect_dma semaphore(%arg8 : memref<!tpu.dma_semaphore, #tpu.memory_space<semaphore_mem>>) src(%dma_wait3A_101 : memref<8192x1024xf32, #tpu.memory_space<hbm>>) dst(%dma_wait3A_96 : memref<8x1024xf32, #tpu.memory_space<vmem>>)
    %add3A_102 = arith.constant 8 : i32
    %add3A_103 = arith.addi %mul3A_2, %add3A_102 : i32
    %multiple_of3A_104 = tpu.assume_multiple %add3A_103, 8 : i32
    %dma_start3A_105 = arith.constant 1 : i32
    %dma_start3A_106 = arith.constant 0 : i32
    %dma_start3A_107 = arith.constant 0 : i32
    %dma_start3A_108 = tpu.memref_slice %arg6[%dma_start3A_105, %dma_start3A_106, %dma_start3A_107] : memref<8x8x1024xf32, #tpu.memory_space<vmem>> -> memref<1x8x1024xf32, #tpu.memory_space<vmem>>
    %dma_start3A_109 = tpu.memref_squeeze %dma_start3A_108 : memref<1x8x1024xf32, #tpu.memory_space<vmem>> -> memref<8x1024xf32, #tpu.memory_space<vmem>>
    %dma_start3A_110 = arith.constant 0 : i32
    %dma_start3A_111 = tpu.memref_slice %arg4[%multiple_of3A_104, %dma_start3A_110] : memref<32768x1024xf32, #tpu.memory_space<hbm>> -> memref<8x1024xf32, #tpu.memory_space<hbm>>
    %dma_start3A_112 = arith.constant 0 : i32
    %dma_start3A_113 = tpu.memref_slice %arg4[%multiple_of3A_104, %dma_start3A_112] : memref<32768x1024xf32, #tpu.memory_space<hbm>> -> memref<8x1024xf32, #tpu.memory_space<hbm>>
    %dma_start3A_114 = arith.constant 0 : i32
    %dma_start3A_115 = arith.constant 0 : i32
    %dma_start3A_116 = tpu.memref_slice %arg6[%dma_start3A_105, %dma_start3A_114, %dma_start3A_115] : memref<8x8x1024xf32, #tpu.memory_space<vmem>> -> memref<1x8x1024xf32, #tpu.memory_space<vmem>>
    %dma_start3A_117 = tpu.memref_squeeze %dma_start3A_116 : memref<1x8x1024xf32, #tpu.memory_space<vmem>> -> memref<8x1024xf32, #tpu.memory_space<vmem>>
    tpu.enqueue_dma source(%dma_start3A_117 : memref<8x1024xf32, #tpu.memory_space<vmem>>) target(%dma_start3A_113 : memref<8x1024xf32, #tpu.memory_space<hbm>>) target_semaphore(%arg16 : memref<!tpu.dma_semaphore, #tpu.memory_space<semaphore_mem>>)
    %multiple_of3A_118 = arith.constant 48 : i32
    %multiple_of3A_119 = tpu.assume_multiple %multiple_of3A_118, 8 : i32
    %dma_start3A_120 = arith.constant 6 : i32
    %dma_start3A_121 = arith.constant 0 : i32
    %dma_start3A_122 = arith.constant 0 : i32
    %dma_start3A_123 = tpu.memref_slice %arg6[%dma_start3A_120, %dma_start3A_121, %dma_start3A_122] : memref<8x8x1024xf32, #tpu.memory_space<vmem>> -> memref<1x8x1024xf32, #tpu.memory_space<vmem>>
    %dma_start3A_124 = tpu.memref_squeeze %dma_start3A_123 : memref<1x8x1024xf32, #tpu.memory_space<vmem>> -> memref<8x1024xf32, #tpu.memory_space<vmem>>
    %dma_start3A_125 = tpu.memref_slice %arg5[%multiple_of3A_119] : memref<1024xi32, #tpu.memory_space<vmem>> -> memref<8xi32, #tpu.memory_space<vmem>>
    %dma_start3A_126 = arith.constant 0 : i32
    %dma_start3A_127 = arith.constant 0 : i32
    %dma_start3A_128 = tpu.memref_slice %arg3[%dma_start3A_126, %dma_start3A_127] : memref<8192x1024xf32, #tpu.memory_space<hbm>> -> memref<8192x1024xf32, #tpu.memory_space<hbm>>
    tpu.enqueue_indirect_dma source(%dma_start3A_128 : memref<8192x1024xf32, #tpu.memory_space<hbm>>) target(%dma_start3A_124 : memref<8x1024xf32, #tpu.memory_space<vmem>>) offsets(%dma_start3A_125 : memref<8xi32, #tpu.memory_space<vmem>>) semaphore(%arg13 : memref<!tpu.dma_semaphore, #tpu.memory_space<semaphore_mem>>)
    %dma_wait3A_129 = arith.constant 2 : i32
    %dma_wait3A_130 = arith.constant 0 : i32
    %dma_wait3A_131 = arith.constant 0 : i32
    %dma_wait3A_132 = tpu.memref_slice %arg6[%dma_wait3A_129, %dma_wait3A_130, %dma_wait3A_131] : memref<8x8x1024xf32, #tpu.memory_space<vmem>> -> memref<1x8x1024xf32, #tpu.memory_space<vmem>>
    %dma_wait3A_133 = tpu.memref_squeeze %dma_wait3A_132 : memref<1x8x1024xf32, #tpu.memory_space<vmem>> -> memref<8x1024xf32, #tpu.memory_space<vmem>>
    %dma_wait3A_134 = arith.constant 0 : i32
    %dma_wait3A_135 = tpu.memref_slice %arg5[%dma_wait3A_134] : memref<1024xi32, #tpu.memory_space<vmem>> -> memref<8xi32, #tpu.memory_space<vmem>>
    %dma_wait3A_136 = arith.constant 0 : i32
    %dma_wait3A_137 = arith.constant 0 : i32
    %dma_wait3A_138 = tpu.memref_slice %arg3[%dma_wait3A_136, %dma_wait3A_137] : memref<8192x1024xf32, #tpu.memory_space<hbm>> -> memref<8192x1024xf32, #tpu.memory_space<hbm>>
    tpu.wait_indirect_dma semaphore(%arg9 : memref<!tpu.dma_semaphore, #tpu.memory_space<semaphore_mem>>) src(%dma_wait3A_138 : memref<8192x1024xf32, #tpu.memory_space<hbm>>) dst(%dma_wait3A_133 : memref<8x1024xf32, #tpu.memory_space<vmem>>)
    %add3A_139 = arith.constant 16 : i32
    %add3A_140 = arith.addi %mul3A_2, %add3A_139 : i32
    %multiple_of3A_141 = tpu.assume_multiple %add3A_140, 8 : i32
    %dma_start3A_142 = arith.constant 2 : i32
    %dma_start3A_143 = arith.constant 0 : i32
    %dma_start3A_144 = arith.constant 0 : i32
    %dma_start3A_145 = tpu.memref_slice %arg6[%dma_start3A_142, %dma_start3A_143, %dma_start3A_144] : memref<8x8x1024xf32, #tpu.memory_space<vmem>> -> memref<1x8x1024xf32, #tpu.memory_space<vmem>>
    %dma_start3A_146 = tpu.memref_squeeze %dma_start3A_145 : memref<1x8x1024xf32, #tpu.memory_space<vmem>> -> memref<8x1024xf32, #tpu.memory_space<vmem>>
    %dma_start3A_147 = arith.constant 0 : i32
    %dma_start3A_148 = tpu.memref_slice %arg4[%multiple_of3A_141, %dma_start3A_147] : memref<32768x1024xf32, #tpu.memory_space<hbm>> -> memref<8x1024xf32, #tpu.memory_space<hbm>>
    %dma_start3A_149 = arith.constant 0 : i32
    %dma_start3A_150 = tpu.memref_slice %arg4[%multiple_of3A_141, %dma_start3A_149] : memref<32768x1024xf32, #tpu.memory_space<hbm>> -> memref<8x1024xf32, #tpu.memory_space<hbm>>
    %dma_start3A_151 = arith.constant 0 : i32
    %dma_start3A_152 = arith.constant 0 : i32
    %dma_start3A_153 = tpu.memref_slice %arg6[%dma_start3A_142, %dma_start3A_151, %dma_start3A_152] : memref<8x8x1024xf32, #tpu.memory_space<vmem>> -> memref<1x8x1024xf32, #tpu.memory_space<vmem>>
    %dma_start3A_154 = tpu.memref_squeeze %dma_start3A_153 : memref<1x8x1024xf32, #tpu.memory_space<vmem>> -> memref<8x1024xf32, #tpu.memory_space<vmem>>
    tpu.enqueue_dma source(%dma_start3A_154 : memref<8x1024xf32, #tpu.memory_space<vmem>>) target(%dma_start3A_150 : memref<8x1024xf32, #tpu.memory_space<hbm>>) target_semaphore(%arg17 : memref<!tpu.dma_semaphore, #tpu.memory_space<semaphore_mem>>)
    %multiple_of3A_155 = arith.constant 56 : i32
    %multiple_of3A_156 = tpu.assume_multiple %multiple_of3A_155, 8 : i32
    %dma_start3A_157 = arith.constant 7 : i32
    %dma_start3A_158 = arith.constant 0 : i32
    %dma_start3A_159 = arith.constant 0 : i32
    %dma_start3A_160 = tpu.memref_slice %arg6[%dma_start3A_157, %dma_start3A_158, %dma_start3A_159] : memref<8x8x1024xf32, #tpu.memory_space<vmem>> -> memref<1x8x1024xf32, #tpu.memory_space<vmem>>
    %dma_start3A_161 = tpu.memref_squeeze %dma_start3A_160 : memref<1x8x1024xf32, #tpu.memory_space<vmem>> -> memref<8x1024xf32, #tpu.memory_space<vmem>>
    %dma_start3A_162 = tpu.memref_slice %arg5[%multiple_of3A_156] : memref<1024xi32, #tpu.memory_space<vmem>> -> memref<8xi32, #tpu.memory_space<vmem>>
    %dma_start3A_163 = arith.constant 0 : i32
    %dma_start3A_164 = arith.constant 0 : i32
    %dma_start3A_165 = tpu.memref_slice %arg3[%dma_start3A_163, %dma_start3A_164] : memref<8192x1024xf32, #tpu.memory_space<hbm>> -> memref<8192x1024xf32, #tpu.memory_space<hbm>>
    tpu.enqueue_indirect_dma source(%dma_start3A_165 : memref<8192x1024xf32, #tpu.memory_space<hbm>>) target(%dma_start3A_161 : memref<8x1024xf32, #tpu.memory_space<vmem>>) offsets(%dma_start3A_162 : memref<8xi32, #tpu.memory_space<vmem>>) semaphore(%arg14 : memref<!tpu.dma_semaphore, #tpu.memory_space<semaphore_mem>>)
    %dma_wait3A_166 = arith.constant 3 : i32
    %dma_wait3A_167 = arith.constant 0 : i32
    %dma_wait3A_168 = arith.constant 0 : i32
    %dma_wait3A_169 = tpu.memref_slice %arg6[%dma_wait3A_166, %dma_wait3A_167, %dma_wait3A_168] : memref<8x8x1024xf32, #tpu.memory_space<vmem>> -> memref<1x8x1024xf32, #tpu.memory_space<vmem>>
    %dma_wait3A_170 = tpu.memref_squeeze %dma_wait3A_169 : memref<1x8x1024xf32, #tpu.memory_space<vmem>> -> memref<8x1024xf32, #tpu.memory_space<vmem>>
    %dma_wait3A_171 = arith.constant 0 : i32
    %dma_wait3A_172 = tpu.memref_slice %arg5[%dma_wait3A_171] : memref<1024xi32, #tpu.memory_space<vmem>> -> memref<8xi32, #tpu.memory_space<vmem>>
    %dma_wait3A_173 = arith.constant 0 : i32
    %dma_wait3A_174 = arith.constant 0 : i32
    %dma_wait3A_175 = tpu.memref_slice %arg3[%dma_wait3A_173, %dma_wait3A_174] : memref<8192x1024xf32, #tpu.memory_space<hbm>> -> memref<8192x1024xf32, #tpu.memory_space<hbm>>
    tpu.wait_indirect_dma semaphore(%arg10 : memref<!tpu.dma_semaphore, #tpu.memory_space<semaphore_mem>>) src(%dma_wait3A_175 : memref<8192x1024xf32, #tpu.memory_space<hbm>>) dst(%dma_wait3A_170 : memref<8x1024xf32, #tpu.memory_space<vmem>>)
    %add3A_176 = arith.constant 24 : i32
    %add3A_177 = arith.addi %mul3A_2, %add3A_176 : i32
    %multiple_of3A_178 = tpu.assume_multiple %add3A_177, 8 : i32
    %dma_start3A_179 = arith.constant 3 : i32
    %dma_start3A_180 = arith.constant 0 : i32
    %dma_start3A_181 = arith.constant 0 : i32
    %dma_start3A_182 = tpu.memref_slice %arg6[%dma_start3A_179, %dma_start3A_180, %dma_start3A_181] : memref<8x8x1024xf32, #tpu.memory_space<vmem>> -> memref<1x8x1024xf32, #tpu.memory_space<vmem>>
    %dma_start3A_183 = tpu.memref_squeeze %dma_start3A_182 : memref<1x8x1024xf32, #tpu.memory_space<vmem>> -> memref<8x1024xf32, #tpu.memory_space<vmem>>
    %dma_start3A_184 = arith.constant 0 : i32
    %dma_start3A_185 = tpu.memref_slice %arg4[%multiple_of3A_178, %dma_start3A_184] : memref<32768x1024xf32, #tpu.memory_space<hbm>> -> memref<8x1024xf32, #tpu.memory_space<hbm>>
    %dma_start3A_186 = arith.constant 0 : i32
    %dma_start3A_187 = tpu.memref_slice %arg4[%multiple_of3A_178, %dma_start3A_186] : memref<32768x1024xf32, #tpu.memory_space<hbm>> -> memref<8x1024xf32, #tpu.memory_space<hbm>>
    %dma_start3A_188 = arith.constant 0 : i32
    %dma_start3A_189 = arith.constant 0 : i32
    %dma_start3A_190 = tpu.memref_slice %arg6[%dma_start3A_179, %dma_start3A_188, %dma_start3A_189] : memref<8x8x1024xf32, #tpu.memory_space<vmem>> -> memref<1x8x1024xf32, #tpu.memory_space<vmem>>
    %dma_start3A_191 = tpu.memref_squeeze %dma_start3A_190 : memref<1x8x1024xf32, #tpu.memory_space<vmem>> -> memref<8x1024xf32, #tpu.memory_space<vmem>>
    tpu.enqueue_dma source(%dma_start3A_191 : memref<8x1024xf32, #tpu.memory_space<vmem>>) target(%dma_start3A_187 : memref<8x1024xf32, #tpu.memory_space<hbm>>) target_semaphore(%arg18 : memref<!tpu.dma_semaphore, #tpu.memory_space<semaphore_mem>>)
    %scan3A = arith.constant 0 : i32
    %scan3A_192 = arith.constant 15 : i32
    %scan3A_193 = arith.addi %scan3A, %scan3A_192 : i32
    %scan3A_194 = arith.constant 1 : i32
    scf.for %scan3A_420 = %scan3A to %scan3A_193 step %scan3A_194  : i32 {
      %mul3A_421 = arith.constant 8 : i32
      %mul3A_422 = arith.muli %scan3A_420, %mul3A_421 : i32
      %add3A_423 = arith.constant 4 : i32
      %add3A_424 = arith.addi %add3A_423, %mul3A_422 : i32
      %add3A_425 = arith.constant 0 : i32
      %add3A_426 = arith.addi %add3A_424, %add3A_425 : i32
      %dma_wait3A_427 = arith.constant 0 : i32
      %dma_wait3A_428 = arith.constant 0 : i32
      %dma_wait3A_429 = arith.constant 0 : i32
      %dma_wait3A_430 = tpu.memref_slice %arg6[%dma_wait3A_427, %dma_wait3A_428, %dma_wait3A_429] : memref<8x8x1024xf32, #tpu.memory_space<vmem>> -> memref<1x8x1024xf32, #tpu.memory_space<vmem>>
      %dma_wait3A_431 = tpu.memref_squeeze %dma_wait3A_430 : memref<1x8x1024xf32, #tpu.memory_space<vmem>> -> memref<8x1024xf32, #tpu.memory_space<vmem>>
      %dma_wait3A_432 = arith.constant 0 : i32
      %dma_wait3A_433 = arith.constant 0 : i32
      %dma_wait3A_434 = tpu.memref_slice %arg4[%dma_wait3A_432, %dma_wait3A_433] : memref<32768x1024xf32, #tpu.memory_space<hbm>> -> memref<8x1024xf32, #tpu.memory_space<hbm>>
      %dma_wait3A_435 = arith.constant 0 : i32
      %dma_wait3A_436 = arith.constant 0 : i32
      %dma_wait3A_437 = tpu.memref_slice %arg4[%dma_wait3A_435, %dma_wait3A_436] : memref<32768x1024xf32, #tpu.memory_space<hbm>> -> memref<8x1024xf32, #tpu.memory_space<hbm>>
      %dma_wait3A_438 = arith.constant 0 : i32
      %dma_wait3A_439 = arith.constant 0 : i32
      %dma_wait3A_440 = tpu.memref_slice %arg6[%dma_wait3A_427, %dma_wait3A_438, %dma_wait3A_439] : memref<8x8x1024xf32, #tpu.memory_space<vmem>> -> memref<1x8x1024xf32, #tpu.memory_space<vmem>>
      %dma_wait3A_441 = tpu.memref_squeeze %dma_wait3A_440 : memref<1x8x1024xf32, #tpu.memory_space<vmem>> -> memref<8x1024xf32, #tpu.memory_space<vmem>>
      tpu.wait_dma2 semaphore(%arg15 : memref<!tpu.dma_semaphore, #tpu.memory_space<semaphore_mem>>) src(%dma_wait3A_441 : memref<8x1024xf32, #tpu.memory_space<vmem>>) dst(%dma_wait3A_437 : memref<8x1024xf32, #tpu.memory_space<hbm>>)
      %add3A_442 = arith.constant 4 : i32
      %add3A_443 = arith.addi %add3A_426, %add3A_442 : i32
      %mul3A_444 = arith.constant 8 : i32
      %mul3A_445 = arith.muli %add3A_443, %mul3A_444 : i32
      %multiple_of3A_446 = tpu.assume_multiple %mul3A_445, 8 : i32
      %dma_start3A_447 = arith.constant 0 : i32
      %dma_start3A_448 = arith.constant 0 : i32
      %dma_start3A_449 = arith.constant 0 : i32
      %dma_start3A_450 = tpu.memref_slice %arg6[%dma_start3A_447, %dma_start3A_448, %dma_start3A_449] : memref<8x8x1024xf32, #tpu.memory_space<vmem>> -> memref<1x8x1024xf32, #tpu.memory_space<vmem>>
      %dma_start3A_451 = tpu.memref_squeeze %dma_start3A_450 : memref<1x8x1024xf32, #tpu.memory_space<vmem>> -> memref<8x1024xf32, #tpu.memory_space<vmem>>
      %dma_start3A_452 = tpu.memref_slice %arg5[%multiple_of3A_446] : memref<1024xi32, #tpu.memory_space<vmem>> -> memref<8xi32, #tpu.memory_space<vmem>>
      %dma_start3A_453 = arith.constant 0 : i32
      %dma_start3A_454 = arith.constant 0 : i32
      %dma_start3A_455 = tpu.memref_slice %arg3[%dma_start3A_453, %dma_start3A_454] : memref<8192x1024xf32, #tpu.memory_space<hbm>> -> memref<8192x1024xf32, #tpu.memory_space<hbm>>
      tpu.enqueue_indirect_dma source(%dma_start3A_455 : memref<8192x1024xf32, #tpu.memory_space<hbm>>) target(%dma_start3A_451 : memref<8x1024xf32, #tpu.memory_space<vmem>>) offsets(%dma_start3A_452 : memref<8xi32, #tpu.memory_space<vmem>>) semaphore(%arg7 : memref<!tpu.dma_semaphore, #tpu.memory_space<semaphore_mem>>)
      %dma_wait3A_456 = arith.constant 4 : i32
      %dma_wait3A_457 = arith.constant 0 : i32
      %dma_wait3A_458 = arith.constant 0 : i32
      %dma_wait3A_459 = tpu.memref_slice %arg6[%dma_wait3A_456, %dma_wait3A_457, %dma_wait3A_458] : memref<8x8x1024xf32, #tpu.memory_space<vmem>> -> memref<1x8x1024xf32, #tpu.memory_space<vmem>>
      %dma_wait3A_460 = tpu.memref_squeeze %dma_wait3A_459 : memref<1x8x1024xf32, #tpu.memory_space<vmem>> -> memref<8x1024xf32, #tpu.memory_space<vmem>>
      %dma_wait3A_461 = arith.constant 0 : i32
      %dma_wait3A_462 = tpu.memref_slice %arg5[%dma_wait3A_461] : memref<1024xi32, #tpu.memory_space<vmem>> -> memref<8xi32, #tpu.memory_space<vmem>>
      %dma_wait3A_463 = arith.constant 0 : i32
      %dma_wait3A_464 = arith.constant 0 : i32
      %dma_wait3A_465 = tpu.memref_slice %arg3[%dma_wait3A_463, %dma_wait3A_464] : memref<8192x1024xf32, #tpu.memory_space<hbm>> -> memref<8192x1024xf32, #tpu.memory_space<hbm>>
      tpu.wait_indirect_dma semaphore(%arg11 : memref<!tpu.dma_semaphore, #tpu.memory_space<semaphore_mem>>) src(%dma_wait3A_465 : memref<8192x1024xf32, #tpu.memory_space<hbm>>) dst(%dma_wait3A_460 : memref<8x1024xf32, #tpu.memory_space<vmem>>)
      %mul3A_466 = arith.constant 8 : i32
      %mul3A_467 = arith.muli %add3A_426, %mul3A_466 : i32
      %add3A_468 = arith.addi %mul3A_2, %mul3A_467 : i32
      %multiple_of3A_469 = tpu.assume_multiple %add3A_468, 8 : i32
      %dma_start3A_470 = arith.constant 4 : i32
      %dma_start3A_471 = arith.constant 0 : i32
      %dma_start3A_472 = arith.constant 0 : i32
      %dma_start3A_473 = tpu.memref_slice %arg6[%dma_start3A_470, %dma_start3A_471, %dma_start3A_472] : memref<8x8x1024xf32, #tpu.memory_space<vmem>> -> memref<1x8x1024xf32, #tpu.memory_space<vmem>>
      %dma_start3A_474 = tpu.memref_squeeze %dma_start3A_473 : memref<1x8x1024xf32, #tpu.memory_space<vmem>> -> memref<8x1024xf32, #tpu.memory_space<vmem>>
      %dma_start3A_475 = arith.constant 0 : i32
      %dma_start3A_476 = tpu.memref_slice %arg4[%multiple_of3A_469, %dma_start3A_475] : memref<32768x1024xf32, #tpu.memory_space<hbm>> -> memref<8x1024xf32, #tpu.memory_space<hbm>>
      %dma_start3A_477 = arith.constant 0 : i32
      %dma_start3A_478 = tpu.memref_slice %arg4[%multiple_of3A_469, %dma_start3A_477] : memref<32768x1024xf32, #tpu.memory_space<hbm>> -> memref<8x1024xf32, #tpu.memory_space<hbm>>
      %dma_start3A_479 = arith.constant 0 : i32
      %dma_start3A_480 = arith.constant 0 : i32
      %dma_start3A_481 = tpu.memref_slice %arg6[%dma_start3A_470, %dma_start3A_479, %dma_start3A_480] : memref<8x8x1024xf32, #tpu.memory_space<vmem>> -> memref<1x8x1024xf32, #tpu.memory_space<vmem>>
      %dma_start3A_482 = tpu.memref_squeeze %dma_start3A_481 : memref<1x8x1024xf32, #tpu.memory_space<vmem>> -> memref<8x1024xf32, #tpu.memory_space<vmem>>
      tpu.enqueue_dma source(%dma_start3A_482 : memref<8x1024xf32, #tpu.memory_space<vmem>>) target(%dma_start3A_478 : memref<8x1024xf32, #tpu.memory_space<hbm>>) target_semaphore(%arg19 : memref<!tpu.dma_semaphore, #tpu.memory_space<semaphore_mem>>)
      %add3A_483 = arith.constant 1 : i32
      %add3A_484 = arith.addi %add3A_424, %add3A_483 : i32
      %dma_wait3A_485 = arith.constant 1 : i32
      %dma_wait3A_486 = arith.constant 0 : i32
      %dma_wait3A_487 = arith.constant 0 : i32
      %dma_wait3A_488 = tpu.memref_slice %arg6[%dma_wait3A_485, %dma_wait3A_486, %dma_wait3A_487] : memref<8x8x1024xf32, #tpu.memory_space<vmem>> -> memref<1x8x1024xf32, #tpu.memory_space<vmem>>
      %dma_wait3A_489 = tpu.memref_squeeze %dma_wait3A_488 : memref<1x8x1024xf32, #tpu.memory_space<vmem>> -> memref<8x1024xf32, #tpu.memory_space<vmem>>
      %dma_wait3A_490 = arith.constant 0 : i32
      %dma_wait3A_491 = arith.constant 0 : i32
      %dma_wait3A_492 = tpu.memref_slice %arg4[%dma_wait3A_490, %dma_wait3A_491] : memref<32768x1024xf32, #tpu.memory_space<hbm>> -> memref<8x1024xf32, #tpu.memory_space<hbm>>
      %dma_wait3A_493 = arith.constant 0 : i32
      %dma_wait3A_494 = arith.constant 0 : i32
      %dma_wait3A_495 = tpu.memref_slice %arg4[%dma_wait3A_493, %dma_wait3A_494] : memref<32768x1024xf32, #tpu.memory_space<hbm>> -> memref<8x1024xf32, #tpu.memory_space<hbm>>
      %dma_wait3A_496 = arith.constant 0 : i32
      %dma_wait3A_497 = arith.constant 0 : i32
      %dma_wait3A_498 = tpu.memref_slice %arg6[%dma_wait3A_485, %dma_wait3A_496, %dma_wait3A_497] : memref<8x8x1024xf32, #tpu.memory_space<vmem>> -> memref<1x8x1024xf32, #tpu.memory_space<vmem>>
      %dma_wait3A_499 = tpu.memref_squeeze %dma_wait3A_498 : memref<1x8x1024xf32, #tpu.memory_space<vmem>> -> memref<8x1024xf32, #tpu.memory_space<vmem>>
      tpu.wait_dma2 semaphore(%arg16 : memref<!tpu.dma_semaphore, #tpu.memory_space<semaphore_mem>>) src(%dma_wait3A_499 : memref<8x1024xf32, #tpu.memory_space<vmem>>) dst(%dma_wait3A_495 : memref<8x1024xf32, #tpu.memory_space<hbm>>)
      %add3A_500 = arith.constant 4 : i32
      %add3A_501 = arith.addi %add3A_484, %add3A_500 : i32
      %mul3A_502 = arith.constant 8 : i32
      %mul3A_503 = arith.muli %add3A_501, %mul3A_502 : i32
      %multiple_of3A_504 = tpu.assume_multiple %mul3A_503, 8 : i32
      %dma_start3A_505 = arith.constant 1 : i32
      %dma_start3A_506 = arith.constant 0 : i32
      %dma_start3A_507 = arith.constant 0 : i32
      %dma_start3A_508 = tpu.memref_slice %arg6[%dma_start3A_505, %dma_start3A_506, %dma_start3A_507] : memref<8x8x1024xf32, #tpu.memory_space<vmem>> -> memref<1x8x1024xf32, #tpu.memory_space<vmem>>
      %dma_start3A_509 = tpu.memref_squeeze %dma_start3A_508 : memref<1x8x1024xf32, #tpu.memory_space<vmem>> -> memref<8x1024xf32, #tpu.memory_space<vmem>>
      %dma_start3A_510 = tpu.memref_slice %arg5[%multiple_of3A_504] : memref<1024xi32, #tpu.memory_space<vmem>> -> memref<8xi32, #tpu.memory_space<vmem>>
      %dma_start3A_511 = arith.constant 0 : i32
      %dma_start3A_512 = arith.constant 0 : i32
      %dma_start3A_513 = tpu.memref_slice %arg3[%dma_start3A_511, %dma_start3A_512] : memref<8192x1024xf32, #tpu.memory_space<hbm>> -> memref<8192x1024xf32, #tpu.memory_space<hbm>>
      tpu.enqueue_indirect_dma source(%dma_start3A_513 : memref<8192x1024xf32, #tpu.memory_space<hbm>>) target(%dma_start3A_509 : memref<8x1024xf32, #tpu.memory_space<vmem>>) offsets(%dma_start3A_510 : memref<8xi32, #tpu.memory_space<vmem>>) semaphore(%arg8 : memref<!tpu.dma_semaphore, #tpu.memory_space<semaphore_mem>>)
      %dma_wait3A_514 = arith.constant 5 : i32
      %dma_wait3A_515 = arith.constant 0 : i32
      %dma_wait3A_516 = arith.constant 0 : i32
      %dma_wait3A_517 = tpu.memref_slice %arg6[%dma_wait3A_514, %dma_wait3A_515, %dma_wait3A_516] : memref<8x8x1024xf32, #tpu.memory_space<vmem>> -> memref<1x8x1024xf32, #tpu.memory_space<vmem>>
      %dma_wait3A_518 = tpu.memref_squeeze %dma_wait3A_517 : memref<1x8x1024xf32, #tpu.memory_space<vmem>> -> memref<8x1024xf32, #tpu.memory_space<vmem>>
      %dma_wait3A_519 = arith.constant 0 : i32
      %dma_wait3A_520 = tpu.memref_slice %arg5[%dma_wait3A_519] : memref<1024xi32, #tpu.memory_space<vmem>> -> memref<8xi32, #tpu.memory_space<vmem>>
      %dma_wait3A_521 = arith.constant 0 : i32
      %dma_wait3A_522 = arith.constant 0 : i32
      %dma_wait3A_523 = tpu.memref_slice %arg3[%dma_wait3A_521, %dma_wait3A_522] : memref<8192x1024xf32, #tpu.memory_space<hbm>> -> memref<8192x1024xf32, #tpu.memory_space<hbm>>
      tpu.wait_indirect_dma semaphore(%arg12 : memref<!tpu.dma_semaphore, #tpu.memory_space<semaphore_mem>>) src(%dma_wait3A_523 : memref<8192x1024xf32, #tpu.memory_space<hbm>>) dst(%dma_wait3A_518 : memref<8x1024xf32, #tpu.memory_space<vmem>>)
      %mul3A_524 = arith.constant 8 : i32
      %mul3A_525 = arith.muli %add3A_484, %mul3A_524 : i32
      %add3A_526 = arith.addi %mul3A_2, %mul3A_525 : i32
      %multiple_of3A_527 = tpu.assume_multiple %add3A_526, 8 : i32
      %dma_start3A_528 = arith.constant 5 : i32
      %dma_start3A_529 = arith.constant 0 : i32
      %dma_start3A_530 = arith.constant 0 : i32
      %dma_start3A_531 = tpu.memref_slice %arg6[%dma_start3A_528, %dma_start3A_529, %dma_start3A_530] : memref<8x8x1024xf32, #tpu.memory_space<vmem>> -> memref<1x8x1024xf32, #tpu.memory_space<vmem>>
      %dma_start3A_532 = tpu.memref_squeeze %dma_start3A_531 : memref<1x8x1024xf32, #tpu.memory_space<vmem>> -> memref<8x1024xf32, #tpu.memory_space<vmem>>
      %dma_start3A_533 = arith.constant 0 : i32
      %dma_start3A_534 = tpu.memref_slice %arg4[%multiple_of3A_527, %dma_start3A_533] : memref<32768x1024xf32, #tpu.memory_space<hbm>> -> memref<8x1024xf32, #tpu.memory_space<hbm>>
      %dma_start3A_535 = arith.constant 0 : i32
      %dma_start3A_536 = tpu.memref_slice %arg4[%multiple_of3A_527, %dma_start3A_535] : memref<32768x1024xf32, #tpu.memory_space<hbm>> -> memref<8x1024xf32, #tpu.memory_space<hbm>>
      %dma_start3A_537 = arith.constant 0 : i32
      %dma_start3A_538 = arith.constant 0 : i32
      %dma_start3A_539 = tpu.memref_slice %arg6[%dma_start3A_528, %dma_start3A_537, %dma_start3A_538] : memref<8x8x1024xf32, #tpu.memory_space<vmem>> -> memref<1x8x1024xf32, #tpu.memory_space<vmem>>
      %dma_start3A_540 = tpu.memref_squeeze %dma_start3A_539 : memref<1x8x1024xf32, #tpu.memory_space<vmem>> -> memref<8x1024xf32, #tpu.memory_space<vmem>>
      tpu.enqueue_dma source(%dma_start3A_540 : memref<8x1024xf32, #tpu.memory_space<vmem>>) target(%dma_start3A_536 : memref<8x1024xf32, #tpu.memory_space<hbm>>) target_semaphore(%arg20 : memref<!tpu.dma_semaphore, #tpu.memory_space<semaphore_mem>>)
      %add3A_541 = arith.constant 2 : i32
      %add3A_542 = arith.addi %add3A_424, %add3A_541 : i32
      %dma_wait3A_543 = arith.constant 2 : i32
      %dma_wait3A_544 = arith.constant 0 : i32
      %dma_wait3A_545 = arith.constant 0 : i32
      %dma_wait3A_546 = tpu.memref_slice %arg6[%dma_wait3A_543, %dma_wait3A_544, %dma_wait3A_545] : memref<8x8x1024xf32, #tpu.memory_space<vmem>> -> memref<1x8x1024xf32, #tpu.memory_space<vmem>>
      %dma_wait3A_547 = tpu.memref_squeeze %dma_wait3A_546 : memref<1x8x1024xf32, #tpu.memory_space<vmem>> -> memref<8x1024xf32, #tpu.memory_space<vmem>>
      %dma_wait3A_548 = arith.constant 0 : i32
      %dma_wait3A_549 = arith.constant 0 : i32
      %dma_wait3A_550 = tpu.memref_slice %arg4[%dma_wait3A_548, %dma_wait3A_549] : memref<32768x1024xf32, #tpu.memory_space<hbm>> -> memref<8x1024xf32, #tpu.memory_space<hbm>>
      %dma_wait3A_551 = arith.constant 0 : i32
      %dma_wait3A_552 = arith.constant 0 : i32
      %dma_wait3A_553 = tpu.memref_slice %arg4[%dma_wait3A_551, %dma_wait3A_552] : memref<32768x1024xf32, #tpu.memory_space<hbm>> -> memref<8x1024xf32, #tpu.memory_space<hbm>>
      %dma_wait3A_554 = arith.constant 0 : i32
      %dma_wait3A_555 = arith.constant 0 : i32
      %dma_wait3A_556 = tpu.memref_slice %arg6[%dma_wait3A_543, %dma_wait3A_554, %dma_wait3A_555] : memref<8x8x1024xf32, #tpu.memory_space<vmem>> -> memref<1x8x1024xf32, #tpu.memory_space<vmem>>
      %dma_wait3A_557 = tpu.memref_squeeze %dma_wait3A_556 : memref<1x8x1024xf32, #tpu.memory_space<vmem>> -> memref<8x1024xf32, #tpu.memory_space<vmem>>
      tpu.wait_dma2 semaphore(%arg17 : memref<!tpu.dma_semaphore, #tpu.memory_space<semaphore_mem>>) src(%dma_wait3A_557 : memref<8x1024xf32, #tpu.memory_space<vmem>>) dst(%dma_wait3A_553 : memref<8x1024xf32, #tpu.memory_space<hbm>>)
      %add3A_558 = arith.constant 4 : i32
      %add3A_559 = arith.addi %add3A_542, %add3A_558 : i32
      %mul3A_560 = arith.constant 8 : i32
      %mul3A_561 = arith.muli %add3A_559, %mul3A_560 : i32
      %multiple_of3A_562 = tpu.assume_multiple %mul3A_561, 8 : i32
      %dma_start3A_563 = arith.constant 2 : i32
      %dma_start3A_564 = arith.constant 0 : i32
      %dma_start3A_565 = arith.constant 0 : i32
      %dma_start3A_566 = tpu.memref_slice %arg6[%dma_start3A_563, %dma_start3A_564, %dma_start3A_565] : memref<8x8x1024xf32, #tpu.memory_space<vmem>> -> memref<1x8x1024xf32, #tpu.memory_space<vmem>>
      %dma_start3A_567 = tpu.memref_squeeze %dma_start3A_566 : memref<1x8x1024xf32, #tpu.memory_space<vmem>> -> memref<8x1024xf32, #tpu.memory_space<vmem>>
      %dma_start3A_568 = tpu.memref_slice %arg5[%multiple_of3A_562] : memref<1024xi32, #tpu.memory_space<vmem>> -> memref<8xi32, #tpu.memory_space<vmem>>
      %dma_start3A_569 = arith.constant 0 : i32
      %dma_start3A_570 = arith.constant 0 : i32
      %dma_start3A_571 = tpu.memref_slice %arg3[%dma_start3A_569, %dma_start3A_570] : memref<8192x1024xf32, #tpu.memory_space<hbm>> -> memref<8192x1024xf32, #tpu.memory_space<hbm>>
      tpu.enqueue_indirect_dma source(%dma_start3A_571 : memref<8192x1024xf32, #tpu.memory_space<hbm>>) target(%dma_start3A_567 : memref<8x1024xf32, #tpu.memory_space<vmem>>) offsets(%dma_start3A_568 : memref<8xi32, #tpu.memory_space<vmem>>) semaphore(%arg9 : memref<!tpu.dma_semaphore, #tpu.memory_space<semaphore_mem>>)
      %dma_wait3A_572 = arith.constant 6 : i32
      %dma_wait3A_573 = arith.constant 0 : i32
      %dma_wait3A_574 = arith.constant 0 : i32
      %dma_wait3A_575 = tpu.memref_slice %arg6[%dma_wait3A_572, %dma_wait3A_573, %dma_wait3A_574] : memref<8x8x1024xf32, #tpu.memory_space<vmem>> -> memref<1x8x1024xf32, #tpu.memory_space<vmem>>
      %dma_wait3A_576 = tpu.memref_squeeze %dma_wait3A_575 : memref<1x8x1024xf32, #tpu.memory_space<vmem>> -> memref<8x1024xf32, #tpu.memory_space<vmem>>
      %dma_wait3A_577 = arith.constant 0 : i32
      %dma_wait3A_578 = tpu.memref_slice %arg5[%dma_wait3A_577] : memref<1024xi32, #tpu.memory_space<vmem>> -> memref<8xi32, #tpu.memory_space<vmem>>
      %dma_wait3A_579 = arith.constant 0 : i32
      %dma_wait3A_580 = arith.constant 0 : i32
      %dma_wait3A_581 = tpu.memref_slice %arg3[%dma_wait3A_579, %dma_wait3A_580] : memref<8192x1024xf32, #tpu.memory_space<hbm>> -> memref<8192x1024xf32, #tpu.memory_space<hbm>>
      tpu.wait_indirect_dma semaphore(%arg13 : memref<!tpu.dma_semaphore, #tpu.memory_space<semaphore_mem>>) src(%dma_wait3A_581 : memref<8192x1024xf32, #tpu.memory_space<hbm>>) dst(%dma_wait3A_576 : memref<8x1024xf32, #tpu.memory_space<vmem>>)
      %mul3A_582 = arith.constant 8 : i32
      %mul3A_583 = arith.muli %add3A_542, %mul3A_582 : i32
      %add3A_584 = arith.addi %mul3A_2, %mul3A_583 : i32
      %multiple_of3A_585 = tpu.assume_multiple %add3A_584, 8 : i32
      %dma_start3A_586 = arith.constant 6 : i32
      %dma_start3A_587 = arith.constant 0 : i32
      %dma_start3A_588 = arith.constant 0 : i32
      %dma_start3A_589 = tpu.memref_slice %arg6[%dma_start3A_586, %dma_start3A_587, %dma_start3A_588] : memref<8x8x1024xf32, #tpu.memory_space<vmem>> -> memref<1x8x1024xf32, #tpu.memory_space<vmem>>
      %dma_start3A_590 = tpu.memref_squeeze %dma_start3A_589 : memref<1x8x1024xf32, #tpu.memory_space<vmem>> -> memref<8x1024xf32, #tpu.memory_space<vmem>>
      %dma_start3A_591 = arith.constant 0 : i32
      %dma_start3A_592 = tpu.memref_slice %arg4[%multiple_of3A_585, %dma_start3A_591] : memref<32768x1024xf32, #tpu.memory_space<hbm>> -> memref<8x1024xf32, #tpu.memory_space<hbm>>
      %dma_start3A_593 = arith.constant 0 : i32
      %dma_start3A_594 = tpu.memref_slice %arg4[%multiple_of3A_585, %dma_start3A_593] : memref<32768x1024xf32, #tpu.memory_space<hbm>> -> memref<8x1024xf32, #tpu.memory_space<hbm>>
      %dma_start3A_595 = arith.constant 0 : i32
      %dma_start3A_596 = arith.constant 0 : i32
      %dma_start3A_597 = tpu.memref_slice %arg6[%dma_start3A_586, %dma_start3A_595, %dma_start3A_596] : memref<8x8x1024xf32, #tpu.memory_space<vmem>> -> memref<1x8x1024xf32, #tpu.memory_space<vmem>>
      %dma_start3A_598 = tpu.memref_squeeze %dma_start3A_597 : memref<1x8x1024xf32, #tpu.memory_space<vmem>> -> memref<8x1024xf32, #tpu.memory_space<vmem>>
      tpu.enqueue_dma source(%dma_start3A_598 : memref<8x1024xf32, #tpu.memory_space<vmem>>) target(%dma_start3A_594 : memref<8x1024xf32, #tpu.memory_space<hbm>>) target_semaphore(%arg21 : memref<!tpu.dma_semaphore, #tpu.memory_space<semaphore_mem>>)
      %add3A_599 = arith.constant 3 : i32
      %add3A_600 = arith.addi %add3A_424, %add3A_599 : i32
      %dma_wait3A_601 = arith.constant 3 : i32
      %dma_wait3A_602 = arith.constant 0 : i32
      %dma_wait3A_603 = arith.constant 0 : i32
      %dma_wait3A_604 = tpu.memref_slice %arg6[%dma_wait3A_601, %dma_wait3A_602, %dma_wait3A_603] : memref<8x8x1024xf32, #tpu.memory_space<vmem>> -> memref<1x8x1024xf32, #tpu.memory_space<vmem>>
      %dma_wait3A_605 = tpu.memref_squeeze %dma_wait3A_604 : memref<1x8x1024xf32, #tpu.memory_space<vmem>> -> memref<8x1024xf32, #tpu.memory_space<vmem>>
      %dma_wait3A_606 = arith.constant 0 : i32
      %dma_wait3A_607 = arith.constant 0 : i32
      %dma_wait3A_608 = tpu.memref_slice %arg4[%dma_wait3A_606, %dma_wait3A_607] : memref<32768x1024xf32, #tpu.memory_space<hbm>> -> memref<8x1024xf32, #tpu.memory_space<hbm>>
      %dma_wait3A_609 = arith.constant 0 : i32
      %dma_wait3A_610 = arith.constant 0 : i32
      %dma_wait3A_611 = tpu.memref_slice %arg4[%dma_wait3A_609, %dma_wait3A_610] : memref<32768x1024xf32, #tpu.memory_space<hbm>> -> memref<8x1024xf32, #tpu.memory_space<hbm>>
      %dma_wait3A_612 = arith.constant 0 : i32
      %dma_wait3A_613 = arith.constant 0 : i32
      %dma_wait3A_614 = tpu.memref_slice %arg6[%dma_wait3A_601, %dma_wait3A_612, %dma_wait3A_613] : memref<8x8x1024xf32, #tpu.memory_space<vmem>> -> memref<1x8x1024xf32, #tpu.memory_space<vmem>>
      %dma_wait3A_615 = tpu.memref_squeeze %dma_wait3A_614 : memref<1x8x1024xf32, #tpu.memory_space<vmem>> -> memref<8x1024xf32, #tpu.memory_space<vmem>>
      tpu.wait_dma2 semaphore(%arg18 : memref<!tpu.dma_semaphore, #tpu.memory_space<semaphore_mem>>) src(%dma_wait3A_615 : memref<8x1024xf32, #tpu.memory_space<vmem>>) dst(%dma_wait3A_611 : memref<8x1024xf32, #tpu.memory_space<hbm>>)
      %add3A_616 = arith.constant 4 : i32
      %add3A_617 = arith.addi %add3A_600, %add3A_616 : i32
      %mul3A_618 = arith.constant 8 : i32
      %mul3A_619 = arith.muli %add3A_617, %mul3A_618 : i32
      %multiple_of3A_620 = tpu.assume_multiple %mul3A_619, 8 : i32
      %dma_start3A_621 = arith.constant 3 : i32
      %dma_start3A_622 = arith.constant 0 : i32
      %dma_start3A_623 = arith.constant 0 : i32
      %dma_start3A_624 = tpu.memref_slice %arg6[%dma_start3A_621, %dma_start3A_622, %dma_start3A_623] : memref<8x8x1024xf32, #tpu.memory_space<vmem>> -> memref<1x8x1024xf32, #tpu.memory_space<vmem>>
      %dma_start3A_625 = tpu.memref_squeeze %dma_start3A_624 : memref<1x8x1024xf32, #tpu.memory_space<vmem>> -> memref<8x1024xf32, #tpu.memory_space<vmem>>
      %dma_start3A_626 = tpu.memref_slice %arg5[%multiple_of3A_620] : memref<1024xi32, #tpu.memory_space<vmem>> -> memref<8xi32, #tpu.memory_space<vmem>>
      %dma_start3A_627 = arith.constant 0 : i32
      %dma_start3A_628 = arith.constant 0 : i32
      %dma_start3A_629 = tpu.memref_slice %arg3[%dma_start3A_627, %dma_start3A_628] : memref<8192x1024xf32, #tpu.memory_space<hbm>> -> memref<8192x1024xf32, #tpu.memory_space<hbm>>
      tpu.enqueue_indirect_dma source(%dma_start3A_629 : memref<8192x1024xf32, #tpu.memory_space<hbm>>) target(%dma_start3A_625 : memref<8x1024xf32, #tpu.memory_space<vmem>>) offsets(%dma_start3A_626 : memref<8xi32, #tpu.memory_space<vmem>>) semaphore(%arg10 : memref<!tpu.dma_semaphore, #tpu.memory_space<semaphore_mem>>)
      %dma_wait3A_630 = arith.constant 7 : i32
      %dma_wait3A_631 = arith.constant 0 : i32
      %dma_wait3A_632 = arith.constant 0 : i32
      %dma_wait3A_633 = tpu.memref_slice %arg6[%dma_wait3A_630, %dma_wait3A_631, %dma_wait3A_632] : memref<8x8x1024xf32, #tpu.memory_space<vmem>> -> memref<1x8x1024xf32, #tpu.memory_space<vmem>>
      %dma_wait3A_634 = tpu.memref_squeeze %dma_wait3A_633 : memref<1x8x1024xf32, #tpu.memory_space<vmem>> -> memref<8x1024xf32, #tpu.memory_space<vmem>>
      %dma_wait3A_635 = arith.constant 0 : i32
      %dma_wait3A_636 = tpu.memref_slice %arg5[%dma_wait3A_635] : memref<1024xi32, #tpu.memory_space<vmem>> -> memref<8xi32, #tpu.memory_space<vmem>>
      %dma_wait3A_637 = arith.constant 0 : i32
      %dma_wait3A_638 = arith.constant 0 : i32
      %dma_wait3A_639 = tpu.memref_slice %arg3[%dma_wait3A_637, %dma_wait3A_638] : memref<8192x1024xf32, #tpu.memory_space<hbm>> -> memref<8192x1024xf32, #tpu.memory_space<hbm>>
      tpu.wait_indirect_dma semaphore(%arg14 : memref<!tpu.dma_semaphore, #tpu.memory_space<semaphore_mem>>) src(%dma_wait3A_639 : memref<8192x1024xf32, #tpu.memory_space<hbm>>) dst(%dma_wait3A_634 : memref<8x1024xf32, #tpu.memory_space<vmem>>)
      %mul3A_640 = arith.constant 8 : i32
      %mul3A_641 = arith.muli %add3A_600, %mul3A_640 : i32
      %add3A_642 = arith.addi %mul3A_2, %mul3A_641 : i32
      %multiple_of3A_643 = tpu.assume_multiple %add3A_642, 8 : i32
      %dma_start3A_644 = arith.constant 7 : i32
      %dma_start3A_645 = arith.constant 0 : i32
      %dma_start3A_646 = arith.constant 0 : i32
      %dma_start3A_647 = tpu.memref_slice %arg6[%dma_start3A_644, %dma_start3A_645, %dma_start3A_646] : memref<8x8x1024xf32, #tpu.memory_space<vmem>> -> memref<1x8x1024xf32, #tpu.memory_space<vmem>>
      %dma_start3A_648 = tpu.memref_squeeze %dma_start3A_647 : memref<1x8x1024xf32, #tpu.memory_space<vmem>> -> memref<8x1024xf32, #tpu.memory_space<vmem>>
      %dma_start3A_649 = arith.constant 0 : i32
      %dma_start3A_650 = tpu.memref_slice %arg4[%multiple_of3A_643, %dma_start3A_649] : memref<32768x1024xf32, #tpu.memory_space<hbm>> -> memref<8x1024xf32, #tpu.memory_space<hbm>>
      %dma_start3A_651 = arith.constant 0 : i32
      %dma_start3A_652 = tpu.memref_slice %arg4[%multiple_of3A_643, %dma_start3A_651] : memref<32768x1024xf32, #tpu.memory_space<hbm>> -> memref<8x1024xf32, #tpu.memory_space<hbm>>
      %dma_start3A_653 = arith.constant 0 : i32
      %dma_start3A_654 = arith.constant 0 : i32
      %dma_start3A_655 = tpu.memref_slice %arg6[%dma_start3A_644, %dma_start3A_653, %dma_start3A_654] : memref<8x8x1024xf32, #tpu.memory_space<vmem>> -> memref<1x8x1024xf32, #tpu.memory_space<vmem>>
      %dma_start3A_656 = tpu.memref_squeeze %dma_start3A_655 : memref<1x8x1024xf32, #tpu.memory_space<vmem>> -> memref<8x1024xf32, #tpu.memory_space<vmem>>
      tpu.enqueue_dma source(%dma_start3A_656 : memref<8x1024xf32, #tpu.memory_space<vmem>>) target(%dma_start3A_652 : memref<8x1024xf32, #tpu.memory_space<hbm>>) target_semaphore(%arg22 : memref<!tpu.dma_semaphore, #tpu.memory_space<semaphore_mem>>)
      %add3A_657 = arith.constant 4 : i32
      %add3A_658 = arith.addi %add3A_424, %add3A_657 : i32
      %dma_wait3A_659 = arith.constant 4 : i32
      %dma_wait3A_660 = arith.constant 0 : i32
      %dma_wait3A_661 = arith.constant 0 : i32
      %dma_wait3A_662 = tpu.memref_slice %arg6[%dma_wait3A_659, %dma_wait3A_660, %dma_wait3A_661] : memref<8x8x1024xf32, #tpu.memory_space<vmem>> -> memref<1x8x1024xf32, #tpu.memory_space<vmem>>
      %dma_wait3A_663 = tpu.memref_squeeze %dma_wait3A_662 : memref<1x8x1024xf32, #tpu.memory_space<vmem>> -> memref<8x1024xf32, #tpu.memory_space<vmem>>
      %dma_wait3A_664 = arith.constant 0 : i32
      %dma_wait3A_665 = arith.constant 0 : i32
      %dma_wait3A_666 = tpu.memref_slice %arg4[%dma_wait3A_664, %dma_wait3A_665] : memref<32768x1024xf32, #tpu.memory_space<hbm>> -> memref<8x1024xf32, #tpu.memory_space<hbm>>
      %dma_wait3A_667 = arith.constant 0 : i32
      %dma_wait3A_668 = arith.constant 0 : i32
      %dma_wait3A_669 = tpu.memref_slice %arg4[%dma_wait3A_667, %dma_wait3A_668] : memref<32768x1024xf32, #tpu.memory_space<hbm>> -> memref<8x1024xf32, #tpu.memory_space<hbm>>
      %dma_wait3A_670 = arith.constant 0 : i32
      %dma_wait3A_671 = arith.constant 0 : i32
      %dma_wait3A_672 = tpu.memref_slice %arg6[%dma_wait3A_659, %dma_wait3A_670, %dma_wait3A_671] : memref<8x8x1024xf32, #tpu.memory_space<vmem>> -> memref<1x8x1024xf32, #tpu.memory_space<vmem>>
      %dma_wait3A_673 = tpu.memref_squeeze %dma_wait3A_672 : memref<1x8x1024xf32, #tpu.memory_space<vmem>> -> memref<8x1024xf32, #tpu.memory_space<vmem>>
      tpu.wait_dma2 semaphore(%arg19 : memref<!tpu.dma_semaphore, #tpu.memory_space<semaphore_mem>>) src(%dma_wait3A_673 : memref<8x1024xf32, #tpu.memory_space<vmem>>) dst(%dma_wait3A_669 : memref<8x1024xf32, #tpu.memory_space<hbm>>)
      %add3A_674 = arith.constant 4 : i32
      %add3A_675 = arith.addi %add3A_658, %add3A_674 : i32
      %mul3A_676 = arith.constant 8 : i32
      %mul3A_677 = arith.muli %add3A_675, %mul3A_676 : i32
      %multiple_of3A_678 = tpu.assume_multiple %mul3A_677, 8 : i32
      %dma_start3A_679 = arith.constant 4 : i32
      %dma_start3A_680 = arith.constant 0 : i32
      %dma_start3A_681 = arith.constant 0 : i32
      %dma_start3A_682 = tpu.memref_slice %arg6[%dma_start3A_679, %dma_start3A_680, %dma_start3A_681] : memref<8x8x1024xf32, #tpu.memory_space<vmem>> -> memref<1x8x1024xf32, #tpu.memory_space<vmem>>
      %dma_start3A_683 = tpu.memref_squeeze %dma_start3A_682 : memref<1x8x1024xf32, #tpu.memory_space<vmem>> -> memref<8x1024xf32, #tpu.memory_space<vmem>>
      %dma_start3A_684 = tpu.memref_slice %arg5[%multiple_of3A_678] : memref<1024xi32, #tpu.memory_space<vmem>> -> memref<8xi32, #tpu.memory_space<vmem>>
      %dma_start3A_685 = arith.constant 0 : i32
      %dma_start3A_686 = arith.constant 0 : i32
      %dma_start3A_687 = tpu.memref_slice %arg3[%dma_start3A_685, %dma_start3A_686] : memref<8192x1024xf32, #tpu.memory_space<hbm>> -> memref<8192x1024xf32, #tpu.memory_space<hbm>>
      tpu.enqueue_indirect_dma source(%dma_start3A_687 : memref<8192x1024xf32, #tpu.memory_space<hbm>>) target(%dma_start3A_683 : memref<8x1024xf32, #tpu.memory_space<vmem>>) offsets(%dma_start3A_684 : memref<8xi32, #tpu.memory_space<vmem>>) semaphore(%arg11 : memref<!tpu.dma_semaphore, #tpu.memory_space<semaphore_mem>>)
      %dma_wait3A_688 = arith.constant 0 : i32
      %dma_wait3A_689 = arith.constant 0 : i32
      %dma_wait3A_690 = arith.constant 0 : i32
      %dma_wait3A_691 = tpu.memref_slice %arg6[%dma_wait3A_688, %dma_wait3A_689, %dma_wait3A_690] : memref<8x8x1024xf32, #tpu.memory_space<vmem>> -> memref<1x8x1024xf32, #tpu.memory_space<vmem>>
      %dma_wait3A_692 = tpu.memref_squeeze %dma_wait3A_691 : memref<1x8x1024xf32, #tpu.memory_space<vmem>> -> memref<8x1024xf32, #tpu.memory_space<vmem>>
      %dma_wait3A_693 = arith.constant 0 : i32
      %dma_wait3A_694 = tpu.memref_slice %arg5[%dma_wait3A_693] : memref<1024xi32, #tpu.memory_space<vmem>> -> memref<8xi32, #tpu.memory_space<vmem>>
      %dma_wait3A_695 = arith.constant 0 : i32
      %dma_wait3A_696 = arith.constant 0 : i32
      %dma_wait3A_697 = tpu.memref_slice %arg3[%dma_wait3A_695, %dma_wait3A_696] : memref<8192x1024xf32, #tpu.memory_space<hbm>> -> memref<8192x1024xf32, #tpu.memory_space<hbm>>
      tpu.wait_indirect_dma semaphore(%arg7 : memref<!tpu.dma_semaphore, #tpu.memory_space<semaphore_mem>>) src(%dma_wait3A_697 : memref<8192x1024xf32, #tpu.memory_space<hbm>>) dst(%dma_wait3A_692 : memref<8x1024xf32, #tpu.memory_space<vmem>>)
      %mul3A_698 = arith.constant 8 : i32
      %mul3A_699 = arith.muli %add3A_658, %mul3A_698 : i32
      %add3A_700 = arith.addi %mul3A_2, %mul3A_699 : i32
      %multiple_of3A_701 = tpu.assume_multiple %add3A_700, 8 : i32
      %dma_start3A_702 = arith.constant 0 : i32
      %dma_start3A_703 = arith.constant 0 : i32
      %dma_start3A_704 = arith.constant 0 : i32
      %dma_start3A_705 = tpu.memref_slice %arg6[%dma_start3A_702, %dma_start3A_703, %dma_start3A_704] : memref<8x8x1024xf32, #tpu.memory_space<vmem>> -> memref<1x8x1024xf32, #tpu.memory_space<vmem>>
      %dma_start3A_706 = tpu.memref_squeeze %dma_start3A_705 : memref<1x8x1024xf32, #tpu.memory_space<vmem>> -> memref<8x1024xf32, #tpu.memory_space<vmem>>
      %dma_start3A_707 = arith.constant 0 : i32
      %dma_start3A_708 = tpu.memref_slice %arg4[%multiple_of3A_701, %dma_start3A_707] : memref<32768x1024xf32, #tpu.memory_space<hbm>> -> memref<8x1024xf32, #tpu.memory_space<hbm>>
      %dma_start3A_709 = arith.constant 0 : i32
      %dma_start3A_710 = tpu.memref_slice %arg4[%multiple_of3A_701, %dma_start3A_709] : memref<32768x1024xf32, #tpu.memory_space<hbm>> -> memref<8x1024xf32, #tpu.memory_space<hbm>>
      %dma_start3A_711 = arith.constant 0 : i32
      %dma_start3A_712 = arith.constant 0 : i32
      %dma_start3A_713 = tpu.memref_slice %arg6[%dma_start3A_702, %dma_start3A_711, %dma_start3A_712] : memref<8x8x1024xf32, #tpu.memory_space<vmem>> -> memref<1x8x1024xf32, #tpu.memory_space<vmem>>
      %dma_start3A_714 = tpu.memref_squeeze %dma_start3A_713 : memref<1x8x1024xf32, #tpu.memory_space<vmem>> -> memref<8x1024xf32, #tpu.memory_space<vmem>>
      tpu.enqueue_dma source(%dma_start3A_714 : memref<8x1024xf32, #tpu.memory_space<vmem>>) target(%dma_start3A_710 : memref<8x1024xf32, #tpu.memory_space<hbm>>) target_semaphore(%arg15 : memref<!tpu.dma_semaphore, #tpu.memory_space<semaphore_mem>>)
      %add3A_715 = arith.constant 5 : i32
      %add3A_716 = arith.addi %add3A_424, %add3A_715 : i32
      %dma_wait3A_717 = arith.constant 5 : i32
      %dma_wait3A_718 = arith.constant 0 : i32
      %dma_wait3A_719 = arith.constant 0 : i32
      %dma_wait3A_720 = tpu.memref_slice %arg6[%dma_wait3A_717, %dma_wait3A_718, %dma_wait3A_719] : memref<8x8x1024xf32, #tpu.memory_space<vmem>> -> memref<1x8x1024xf32, #tpu.memory_space<vmem>>
      %dma_wait3A_721 = tpu.memref_squeeze %dma_wait3A_720 : memref<1x8x1024xf32, #tpu.memory_space<vmem>> -> memref<8x1024xf32, #tpu.memory_space<vmem>>
      %dma_wait3A_722 = arith.constant 0 : i32
      %dma_wait3A_723 = arith.constant 0 : i32
      %dma_wait3A_724 = tpu.memref_slice %arg4[%dma_wait3A_722, %dma_wait3A_723] : memref<32768x1024xf32, #tpu.memory_space<hbm>> -> memref<8x1024xf32, #tpu.memory_space<hbm>>
      %dma_wait3A_725 = arith.constant 0 : i32
      %dma_wait3A_726 = arith.constant 0 : i32
      %dma_wait3A_727 = tpu.memref_slice %arg4[%dma_wait3A_725, %dma_wait3A_726] : memref<32768x1024xf32, #tpu.memory_space<hbm>> -> memref<8x1024xf32, #tpu.memory_space<hbm>>
      %dma_wait3A_728 = arith.constant 0 : i32
      %dma_wait3A_729 = arith.constant 0 : i32
      %dma_wait3A_730 = tpu.memref_slice %arg6[%dma_wait3A_717, %dma_wait3A_728, %dma_wait3A_729] : memref<8x8x1024xf32, #tpu.memory_space<vmem>> -> memref<1x8x1024xf32, #tpu.memory_space<vmem>>
      %dma_wait3A_731 = tpu.memref_squeeze %dma_wait3A_730 : memref<1x8x1024xf32, #tpu.memory_space<vmem>> -> memref<8x1024xf32, #tpu.memory_space<vmem>>
      tpu.wait_dma2 semaphore(%arg20 : memref<!tpu.dma_semaphore, #tpu.memory_space<semaphore_mem>>) src(%dma_wait3A_731 : memref<8x1024xf32, #tpu.memory_space<vmem>>) dst(%dma_wait3A_727 : memref<8x1024xf32, #tpu.memory_space<hbm>>)
      %add3A_732 = arith.constant 4 : i32
      %add3A_733 = arith.addi %add3A_716, %add3A_732 : i32
      %mul3A_734 = arith.constant 8 : i32
      %mul3A_735 = arith.muli %add3A_733, %mul3A_734 : i32
      %multiple_of3A_736 = tpu.assume_multiple %mul3A_735, 8 : i32
      %dma_start3A_737 = arith.constant 5 : i32
      %dma_start3A_738 = arith.constant 0 : i32
      %dma_start3A_739 = arith.constant 0 : i32
      %dma_start3A_740 = tpu.memref_slice %arg6[%dma_start3A_737, %dma_start3A_738, %dma_start3A_739] : memref<8x8x1024xf32, #tpu.memory_space<vmem>> -> memref<1x8x1024xf32, #tpu.memory_space<vmem>>
      %dma_start3A_741 = tpu.memref_squeeze %dma_start3A_740 : memref<1x8x1024xf32, #tpu.memory_space<vmem>> -> memref<8x1024xf32, #tpu.memory_space<vmem>>
      %dma_start3A_742 = tpu.memref_slice %arg5[%multiple_of3A_736] : memref<1024xi32, #tpu.memory_space<vmem>> -> memref<8xi32, #tpu.memory_space<vmem>>
      %dma_start3A_743 = arith.constant 0 : i32
      %dma_start3A_744 = arith.constant 0 : i32
      %dma_start3A_745 = tpu.memref_slice %arg3[%dma_start3A_743, %dma_start3A_744] : memref<8192x1024xf32, #tpu.memory_space<hbm>> -> memref<8192x1024xf32, #tpu.memory_space<hbm>>
      tpu.enqueue_indirect_dma source(%dma_start3A_745 : memref<8192x1024xf32, #tpu.memory_space<hbm>>) target(%dma_start3A_741 : memref<8x1024xf32, #tpu.memory_space<vmem>>) offsets(%dma_start3A_742 : memref<8xi32, #tpu.memory_space<vmem>>) semaphore(%arg12 : memref<!tpu.dma_semaphore, #tpu.memory_space<semaphore_mem>>)
      %dma_wait3A_746 = arith.constant 1 : i32
      %dma_wait3A_747 = arith.constant 0 : i32
      %dma_wait3A_748 = arith.constant 0 : i32
      %dma_wait3A_749 = tpu.memref_slice %arg6[%dma_wait3A_746, %dma_wait3A_747, %dma_wait3A_748] : memref<8x8x1024xf32, #tpu.memory_space<vmem>> -> memref<1x8x1024xf32, #tpu.memory_space<vmem>>
      %dma_wait3A_750 = tpu.memref_squeeze %dma_wait3A_749 : memref<1x8x1024xf32, #tpu.memory_space<vmem>> -> memref<8x1024xf32, #tpu.memory_space<vmem>>
      %dma_wait3A_751 = arith.constant 0 : i32
      %dma_wait3A_752 = tpu.memref_slice %arg5[%dma_wait3A_751] : memref<1024xi32, #tpu.memory_space<vmem>> -> memref<8xi32, #tpu.memory_space<vmem>>
      %dma_wait3A_753 = arith.constant 0 : i32
      %dma_wait3A_754 = arith.constant 0 : i32
      %dma_wait3A_755 = tpu.memref_slice %arg3[%dma_wait3A_753, %dma_wait3A_754] : memref<8192x1024xf32, #tpu.memory_space<hbm>> -> memref<8192x1024xf32, #tpu.memory_space<hbm>>
      tpu.wait_indirect_dma semaphore(%arg8 : memref<!tpu.dma_semaphore, #tpu.memory_space<semaphore_mem>>) src(%dma_wait3A_755 : memref<8192x1024xf32, #tpu.memory_space<hbm>>) dst(%dma_wait3A_750 : memref<8x1024xf32, #tpu.memory_space<vmem>>)
      %mul3A_756 = arith.constant 8 : i32
      %mul3A_757 = arith.muli %add3A_716, %mul3A_756 : i32
      %add3A_758 = arith.addi %mul3A_2, %mul3A_757 : i32
      %multiple_of3A_759 = tpu.assume_multiple %add3A_758, 8 : i32
      %dma_start3A_760 = arith.constant 1 : i32
      %dma_start3A_761 = arith.constant 0 : i32
      %dma_start3A_762 = arith.constant 0 : i32
      %dma_start3A_763 = tpu.memref_slice %arg6[%dma_start3A_760, %dma_start3A_761, %dma_start3A_762] : memref<8x8x1024xf32, #tpu.memory_space<vmem>> -> memref<1x8x1024xf32, #tpu.memory_space<vmem>>
      %dma_start3A_764 = tpu.memref_squeeze %dma_start3A_763 : memref<1x8x1024xf32, #tpu.memory_space<vmem>> -> memref<8x1024xf32, #tpu.memory_space<vmem>>
      %dma_start3A_765 = arith.constant 0 : i32
      %dma_start3A_766 = tpu.memref_slice %arg4[%multiple_of3A_759, %dma_start3A_765] : memref<32768x1024xf32, #tpu.memory_space<hbm>> -> memref<8x1024xf32, #tpu.memory_space<hbm>>
      %dma_start3A_767 = arith.constant 0 : i32
      %dma_start3A_768 = tpu.memref_slice %arg4[%multiple_of3A_759, %dma_start3A_767] : memref<32768x1024xf32, #tpu.memory_space<hbm>> -> memref<8x1024xf32, #tpu.memory_space<hbm>>
      %dma_start3A_769 = arith.constant 0 : i32
      %dma_start3A_770 = arith.constant 0 : i32
      %dma_start3A_771 = tpu.memref_slice %arg6[%dma_start3A_760, %dma_start3A_769, %dma_start3A_770] : memref<8x8x1024xf32, #tpu.memory_space<vmem>> -> memref<1x8x1024xf32, #tpu.memory_space<vmem>>
      %dma_start3A_772 = tpu.memref_squeeze %dma_start3A_771 : memref<1x8x1024xf32, #tpu.memory_space<vmem>> -> memref<8x1024xf32, #tpu.memory_space<vmem>>
      tpu.enqueue_dma source(%dma_start3A_772 : memref<8x1024xf32, #tpu.memory_space<vmem>>) target(%dma_start3A_768 : memref<8x1024xf32, #tpu.memory_space<hbm>>) target_semaphore(%arg16 : memref<!tpu.dma_semaphore, #tpu.memory_space<semaphore_mem>>)
      %add3A_773 = arith.constant 6 : i32
      %add3A_774 = arith.addi %add3A_424, %add3A_773 : i32
      %dma_wait3A_775 = arith.constant 6 : i32
      %dma_wait3A_776 = arith.constant 0 : i32
      %dma_wait3A_777 = arith.constant 0 : i32
      %dma_wait3A_778 = tpu.memref_slice %arg6[%dma_wait3A_775, %dma_wait3A_776, %dma_wait3A_777] : memref<8x8x1024xf32, #tpu.memory_space<vmem>> -> memref<1x8x1024xf32, #tpu.memory_space<vmem>>
      %dma_wait3A_779 = tpu.memref_squeeze %dma_wait3A_778 : memref<1x8x1024xf32, #tpu.memory_space<vmem>> -> memref<8x1024xf32, #tpu.memory_space<vmem>>
      %dma_wait3A_780 = arith.constant 0 : i32
      %dma_wait3A_781 = arith.constant 0 : i32
      %dma_wait3A_782 = tpu.memref_slice %arg4[%dma_wait3A_780, %dma_wait3A_781] : memref<32768x1024xf32, #tpu.memory_space<hbm>> -> memref<8x1024xf32, #tpu.memory_space<hbm>>
      %dma_wait3A_783 = arith.constant 0 : i32
      %dma_wait3A_784 = arith.constant 0 : i32
      %dma_wait3A_785 = tpu.memref_slice %arg4[%dma_wait3A_783, %dma_wait3A_784] : memref<32768x1024xf32, #tpu.memory_space<hbm>> -> memref<8x1024xf32, #tpu.memory_space<hbm>>
      %dma_wait3A_786 = arith.constant 0 : i32
      %dma_wait3A_787 = arith.constant 0 : i32
      %dma_wait3A_788 = tpu.memref_slice %arg6[%dma_wait3A_775, %dma_wait3A_786, %dma_wait3A_787] : memref<8x8x1024xf32, #tpu.memory_space<vmem>> -> memref<1x8x1024xf32, #tpu.memory_space<vmem>>
      %dma_wait3A_789 = tpu.memref_squeeze %dma_wait3A_788 : memref<1x8x1024xf32, #tpu.memory_space<vmem>> -> memref<8x1024xf32, #tpu.memory_space<vmem>>
      tpu.wait_dma2 semaphore(%arg21 : memref<!tpu.dma_semaphore, #tpu.memory_space<semaphore_mem>>) src(%dma_wait3A_789 : memref<8x1024xf32, #tpu.memory_space<vmem>>) dst(%dma_wait3A_785 : memref<8x1024xf32, #tpu.memory_space<hbm>>)
      %add3A_790 = arith.constant 4 : i32
      %add3A_791 = arith.addi %add3A_774, %add3A_790 : i32
      %mul3A_792 = arith.constant 8 : i32
      %mul3A_793 = arith.muli %add3A_791, %mul3A_792 : i32
      %multiple_of3A_794 = tpu.assume_multiple %mul3A_793, 8 : i32
      %dma_start3A_795 = arith.constant 6 : i32
      %dma_start3A_796 = arith.constant 0 : i32
      %dma_start3A_797 = arith.constant 0 : i32
      %dma_start3A_798 = tpu.memref_slice %arg6[%dma_start3A_795, %dma_start3A_796, %dma_start3A_797] : memref<8x8x1024xf32, #tpu.memory_space<vmem>> -> memref<1x8x1024xf32, #tpu.memory_space<vmem>>
      %dma_start3A_799 = tpu.memref_squeeze %dma_start3A_798 : memref<1x8x1024xf32, #tpu.memory_space<vmem>> -> memref<8x1024xf32, #tpu.memory_space<vmem>>
      %dma_start3A_800 = tpu.memref_slice %arg5[%multiple_of3A_794] : memref<1024xi32, #tpu.memory_space<vmem>> -> memref<8xi32, #tpu.memory_space<vmem>>
      %dma_start3A_801 = arith.constant 0 : i32
      %dma_start3A_802 = arith.constant 0 : i32
      %dma_start3A_803 = tpu.memref_slice %arg3[%dma_start3A_801, %dma_start3A_802] : memref<8192x1024xf32, #tpu.memory_space<hbm>> -> memref<8192x1024xf32, #tpu.memory_space<hbm>>
      tpu.enqueue_indirect_dma source(%dma_start3A_803 : memref<8192x1024xf32, #tpu.memory_space<hbm>>) target(%dma_start3A_799 : memref<8x1024xf32, #tpu.memory_space<vmem>>) offsets(%dma_start3A_800 : memref<8xi32, #tpu.memory_space<vmem>>) semaphore(%arg13 : memref<!tpu.dma_semaphore, #tpu.memory_space<semaphore_mem>>)
      %dma_wait3A_804 = arith.constant 2 : i32
      %dma_wait3A_805 = arith.constant 0 : i32
      %dma_wait3A_806 = arith.constant 0 : i32
      %dma_wait3A_807 = tpu.memref_slice %arg6[%dma_wait3A_804, %dma_wait3A_805, %dma_wait3A_806] : memref<8x8x1024xf32, #tpu.memory_space<vmem>> -> memref<1x8x1024xf32, #tpu.memory_space<vmem>>
      %dma_wait3A_808 = tpu.memref_squeeze %dma_wait3A_807 : memref<1x8x1024xf32, #tpu.memory_space<vmem>> -> memref<8x1024xf32, #tpu.memory_space<vmem>>
      %dma_wait3A_809 = arith.constant 0 : i32
      %dma_wait3A_810 = tpu.memref_slice %arg5[%dma_wait3A_809] : memref<1024xi32, #tpu.memory_space<vmem>> -> memref<8xi32, #tpu.memory_space<vmem>>
      %dma_wait3A_811 = arith.constant 0 : i32
      %dma_wait3A_812 = arith.constant 0 : i32
      %dma_wait3A_813 = tpu.memref_slice %arg3[%dma_wait3A_811, %dma_wait3A_812] : memref<8192x1024xf32, #tpu.memory_space<hbm>> -> memref<8192x1024xf32, #tpu.memory_space<hbm>>
      tpu.wait_indirect_dma semaphore(%arg9 : memref<!tpu.dma_semaphore, #tpu.memory_space<semaphore_mem>>) src(%dma_wait3A_813 : memref<8192x1024xf32, #tpu.memory_space<hbm>>) dst(%dma_wait3A_808 : memref<8x1024xf32, #tpu.memory_space<vmem>>)
      %mul3A_814 = arith.constant 8 : i32
      %mul3A_815 = arith.muli %add3A_774, %mul3A_814 : i32
      %add3A_816 = arith.addi %mul3A_2, %mul3A_815 : i32
      %multiple_of3A_817 = tpu.assume_multiple %add3A_816, 8 : i32
      %dma_start3A_818 = arith.constant 2 : i32
      %dma_start3A_819 = arith.constant 0 : i32
      %dma_start3A_820 = arith.constant 0 : i32
      %dma_start3A_821 = tpu.memref_slice %arg6[%dma_start3A_818, %dma_start3A_819, %dma_start3A_820] : memref<8x8x1024xf32, #tpu.memory_space<vmem>> -> memref<1x8x1024xf32, #tpu.memory_space<vmem>>
      %dma_start3A_822 = tpu.memref_squeeze %dma_start3A_821 : memref<1x8x1024xf32, #tpu.memory_space<vmem>> -> memref<8x1024xf32, #tpu.memory_space<vmem>>
      %dma_start3A_823 = arith.constant 0 : i32
      %dma_start3A_824 = tpu.memref_slice %arg4[%multiple_of3A_817, %dma_start3A_823] : memref<32768x1024xf32, #tpu.memory_space<hbm>> -> memref<8x1024xf32, #tpu.memory_space<hbm>>
      %dma_start3A_825 = arith.constant 0 : i32
      %dma_start3A_826 = tpu.memref_slice %arg4[%multiple_of3A_817, %dma_start3A_825] : memref<32768x1024xf32, #tpu.memory_space<hbm>> -> memref<8x1024xf32, #tpu.memory_space<hbm>>
      %dma_start3A_827 = arith.constant 0 : i32
      %dma_start3A_828 = arith.constant 0 : i32
      %dma_start3A_829 = tpu.memref_slice %arg6[%dma_start3A_818, %dma_start3A_827, %dma_start3A_828] : memref<8x8x1024xf32, #tpu.memory_space<vmem>> -> memref<1x8x1024xf32, #tpu.memory_space<vmem>>
      %dma_start3A_830 = tpu.memref_squeeze %dma_start3A_829 : memref<1x8x1024xf32, #tpu.memory_space<vmem>> -> memref<8x1024xf32, #tpu.memory_space<vmem>>
      tpu.enqueue_dma source(%dma_start3A_830 : memref<8x1024xf32, #tpu.memory_space<vmem>>) target(%dma_start3A_826 : memref<8x1024xf32, #tpu.memory_space<hbm>>) target_semaphore(%arg17 : memref<!tpu.dma_semaphore, #tpu.memory_space<semaphore_mem>>)
      %add3A_831 = arith.constant 7 : i32
      %add3A_832 = arith.addi %add3A_424, %add3A_831 : i32
      %dma_wait3A_833 = arith.constant 7 : i32
      %dma_wait3A_834 = arith.constant 0 : i32
      %dma_wait3A_835 = arith.constant 0 : i32
      %dma_wait3A_836 = tpu.memref_slice %arg6[%dma_wait3A_833, %dma_wait3A_834, %dma_wait3A_835] : memref<8x8x1024xf32, #tpu.memory_space<vmem>> -> memref<1x8x1024xf32, #tpu.memory_space<vmem>>
      %dma_wait3A_837 = tpu.memref_squeeze %dma_wait3A_836 : memref<1x8x1024xf32, #tpu.memory_space<vmem>> -> memref<8x1024xf32, #tpu.memory_space<vmem>>
      %dma_wait3A_838 = arith.constant 0 : i32
      %dma_wait3A_839 = arith.constant 0 : i32
      %dma_wait3A_840 = tpu.memref_slice %arg4[%dma_wait3A_838, %dma_wait3A_839] : memref<32768x1024xf32, #tpu.memory_space<hbm>> -> memref<8x1024xf32, #tpu.memory_space<hbm>>
      %dma_wait3A_841 = arith.constant 0 : i32
      %dma_wait3A_842 = arith.constant 0 : i32
      %dma_wait3A_843 = tpu.memref_slice %arg4[%dma_wait3A_841, %dma_wait3A_842] : memref<32768x1024xf32, #tpu.memory_space<hbm>> -> memref<8x1024xf32, #tpu.memory_space<hbm>>
      %dma_wait3A_844 = arith.constant 0 : i32
      %dma_wait3A_845 = arith.constant 0 : i32
      %dma_wait3A_846 = tpu.memref_slice %arg6[%dma_wait3A_833, %dma_wait3A_844, %dma_wait3A_845] : memref<8x8x1024xf32, #tpu.memory_space<vmem>> -> memref<1x8x1024xf32, #tpu.memory_space<vmem>>
      %dma_wait3A_847 = tpu.memref_squeeze %dma_wait3A_846 : memref<1x8x1024xf32, #tpu.memory_space<vmem>> -> memref<8x1024xf32, #tpu.memory_space<vmem>>
      tpu.wait_dma2 semaphore(%arg22 : memref<!tpu.dma_semaphore, #tpu.memory_space<semaphore_mem>>) src(%dma_wait3A_847 : memref<8x1024xf32, #tpu.memory_space<vmem>>) dst(%dma_wait3A_843 : memref<8x1024xf32, #tpu.memory_space<hbm>>)
      %add3A_848 = arith.constant 4 : i32
      %add3A_849 = arith.addi %add3A_832, %add3A_848 : i32
      %mul3A_850 = arith.constant 8 : i32
      %mul3A_851 = arith.muli %add3A_849, %mul3A_850 : i32
      %multiple_of3A_852 = tpu.assume_multiple %mul3A_851, 8 : i32
      %dma_start3A_853 = arith.constant 7 : i32
      %dma_start3A_854 = arith.constant 0 : i32
      %dma_start3A_855 = arith.constant 0 : i32
      %dma_start3A_856 = tpu.memref_slice %arg6[%dma_start3A_853, %dma_start3A_854, %dma_start3A_855] : memref<8x8x1024xf32, #tpu.memory_space<vmem>> -> memref<1x8x1024xf32, #tpu.memory_space<vmem>>
      %dma_start3A_857 = tpu.memref_squeeze %dma_start3A_856 : memref<1x8x1024xf32, #tpu.memory_space<vmem>> -> memref<8x1024xf32, #tpu.memory_space<vmem>>
      %dma_start3A_858 = tpu.memref_slice %arg5[%multiple_of3A_852] : memref<1024xi32, #tpu.memory_space<vmem>> -> memref<8xi32, #tpu.memory_space<vmem>>
      %dma_start3A_859 = arith.constant 0 : i32
      %dma_start3A_860 = arith.constant 0 : i32
      %dma_start3A_861 = tpu.memref_slice %arg3[%dma_start3A_859, %dma_start3A_860] : memref<8192x1024xf32, #tpu.memory_space<hbm>> -> memref<8192x1024xf32, #tpu.memory_space<hbm>>
      tpu.enqueue_indirect_dma source(%dma_start3A_861 : memref<8192x1024xf32, #tpu.memory_space<hbm>>) target(%dma_start3A_857 : memref<8x1024xf32, #tpu.memory_space<vmem>>) offsets(%dma_start3A_858 : memref<8xi32, #tpu.memory_space<vmem>>) semaphore(%arg14 : memref<!tpu.dma_semaphore, #tpu.memory_space<semaphore_mem>>)
      %dma_wait3A_862 = arith.constant 3 : i32
      %dma_wait3A_863 = arith.constant 0 : i32
      %dma_wait3A_864 = arith.constant 0 : i32
      %dma_wait3A_865 = tpu.memref_slice %arg6[%dma_wait3A_862, %dma_wait3A_863, %dma_wait3A_864] : memref<8x8x1024xf32, #tpu.memory_space<vmem>> -> memref<1x8x1024xf32, #tpu.memory_space<vmem>>
      %dma_wait3A_866 = tpu.memref_squeeze %dma_wait3A_865 : memref<1x8x1024xf32, #tpu.memory_space<vmem>> -> memref<8x1024xf32, #tpu.memory_space<vmem>>
      %dma_wait3A_867 = arith.constant 0 : i32
      %dma_wait3A_868 = tpu.memref_slice %arg5[%dma_wait3A_867] : memref<1024xi32, #tpu.memory_space<vmem>> -> memref<8xi32, #tpu.memory_space<vmem>>
      %dma_wait3A_869 = arith.constant 0 : i32
      %dma_wait3A_870 = arith.constant 0 : i32
      %dma_wait3A_871 = tpu.memref_slice %arg3[%dma_wait3A_869, %dma_wait3A_870] : memref<8192x1024xf32, #tpu.memory_space<hbm>> -> memref<8192x1024xf32, #tpu.memory_space<hbm>>
      tpu.wait_indirect_dma semaphore(%arg10 : memref<!tpu.dma_semaphore, #tpu.memory_space<semaphore_mem>>) src(%dma_wait3A_871 : memref<8192x1024xf32, #tpu.memory_space<hbm>>) dst(%dma_wait3A_866 : memref<8x1024xf32, #tpu.memory_space<vmem>>)
      %mul3A_872 = arith.constant 8 : i32
      %mul3A_873 = arith.muli %add3A_832, %mul3A_872 : i32
      %add3A_874 = arith.addi %mul3A_2, %mul3A_873 : i32
      %multiple_of3A_875 = tpu.assume_multiple %add3A_874, 8 : i32
      %dma_start3A_876 = arith.constant 3 : i32
      %dma_start3A_877 = arith.constant 0 : i32
      %dma_start3A_878 = arith.constant 0 : i32
      %dma_start3A_879 = tpu.memref_slice %arg6[%dma_start3A_876, %dma_start3A_877, %dma_start3A_878] : memref<8x8x1024xf32, #tpu.memory_space<vmem>> -> memref<1x8x1024xf32, #tpu.memory_space<vmem>>
      %dma_start3A_880 = tpu.memref_squeeze %dma_start3A_879 : memref<1x8x1024xf32, #tpu.memory_space<vmem>> -> memref<8x1024xf32, #tpu.memory_space<vmem>>
      %dma_start3A_881 = arith.constant 0 : i32
      %dma_start3A_882 = tpu.memref_slice %arg4[%multiple_of3A_875, %dma_start3A_881] : memref<32768x1024xf32, #tpu.memory_space<hbm>> -> memref<8x1024xf32, #tpu.memory_space<hbm>>
      %dma_start3A_883 = arith.constant 0 : i32
      %dma_start3A_884 = tpu.memref_slice %arg4[%multiple_of3A_875, %dma_start3A_883] : memref<32768x1024xf32, #tpu.memory_space<hbm>> -> memref<8x1024xf32, #tpu.memory_space<hbm>>
      %dma_start3A_885 = arith.constant 0 : i32
      %dma_start3A_886 = arith.constant 0 : i32
      %dma_start3A_887 = tpu.memref_slice %arg6[%dma_start3A_876, %dma_start3A_885, %dma_start3A_886] : memref<8x8x1024xf32, #tpu.memory_space<vmem>> -> memref<1x8x1024xf32, #tpu.memory_space<vmem>>
      %dma_start3A_888 = tpu.memref_squeeze %dma_start3A_887 : memref<1x8x1024xf32, #tpu.memory_space<vmem>> -> memref<8x1024xf32, #tpu.memory_space<vmem>>
      tpu.enqueue_dma source(%dma_start3A_888 : memref<8x1024xf32, #tpu.memory_space<vmem>>) target(%dma_start3A_884 : memref<8x1024xf32, #tpu.memory_space<hbm>>) target_semaphore(%arg18 : memref<!tpu.dma_semaphore, #tpu.memory_space<semaphore_mem>>)
    }
    %scan3A_195 = arith.constant 15 : i32
    %dma_wait3A_196 = arith.constant 0 : i32
    %dma_wait3A_197 = arith.constant 0 : i32
    %dma_wait3A_198 = arith.constant 0 : i32
    %dma_wait3A_199 = tpu.memref_slice %arg6[%dma_wait3A_196, %dma_wait3A_197, %dma_wait3A_198] : memref<8x8x1024xf32, #tpu.memory_space<vmem>> -> memref<1x8x1024xf32, #tpu.memory_space<vmem>>
    %dma_wait3A_200 = tpu.memref_squeeze %dma_wait3A_199 : memref<1x8x1024xf32, #tpu.memory_space<vmem>> -> memref<8x1024xf32, #tpu.memory_space<vmem>>
    %dma_wait3A_201 = arith.constant 0 : i32
    %dma_wait3A_202 = arith.constant 0 : i32
    %dma_wait3A_203 = tpu.memref_slice %arg4[%dma_wait3A_201, %dma_wait3A_202] : memref<32768x1024xf32, #tpu.memory_space<hbm>> -> memref<8x1024xf32, #tpu.memory_space<hbm>>
    %dma_wait3A_204 = arith.constant 0 : i32
    %dma_wait3A_205 = arith.constant 0 : i32
    %dma_wait3A_206 = tpu.memref_slice %arg4[%dma_wait3A_204, %dma_wait3A_205] : memref<32768x1024xf32, #tpu.memory_space<hbm>> -> memref<8x1024xf32, #tpu.memory_space<hbm>>
    %dma_wait3A_207 = arith.constant 0 : i32
    %dma_wait3A_208 = arith.constant 0 : i32
    %dma_wait3A_209 = tpu.memref_slice %arg6[%dma_wait3A_196, %dma_wait3A_207, %dma_wait3A_208] : memref<8x8x1024xf32, #tpu.memory_space<vmem>> -> memref<1x8x1024xf32, #tpu.memory_space<vmem>>
    %dma_wait3A_210 = tpu.memref_squeeze %dma_wait3A_209 : memref<1x8x1024xf32, #tpu.memory_space<vmem>> -> memref<8x1024xf32, #tpu.memory_space<vmem>>
    tpu.wait_dma2 semaphore(%arg15 : memref<!tpu.dma_semaphore, #tpu.memory_space<semaphore_mem>>) src(%dma_wait3A_210 : memref<8x1024xf32, #tpu.memory_space<vmem>>) dst(%dma_wait3A_206 : memref<8x1024xf32, #tpu.memory_space<hbm>>)
    %dma_wait3A_211 = arith.constant 4 : i32
    %dma_wait3A_212 = arith.constant 0 : i32
    %dma_wait3A_213 = arith.constant 0 : i32
    %dma_wait3A_214 = tpu.memref_slice %arg6[%dma_wait3A_211, %dma_wait3A_212, %dma_wait3A_213] : memref<8x8x1024xf32, #tpu.memory_space<vmem>> -> memref<1x8x1024xf32, #tpu.memory_space<vmem>>
    %dma_wait3A_215 = tpu.memref_squeeze %dma_wait3A_214 : memref<1x8x1024xf32, #tpu.memory_space<vmem>> -> memref<8x1024xf32, #tpu.memory_space<vmem>>
    %dma_wait3A_216 = arith.constant 0 : i32
    %dma_wait3A_217 = tpu.memref_slice %arg5[%dma_wait3A_216] : memref<1024xi32, #tpu.memory_space<vmem>> -> memref<8xi32, #tpu.memory_space<vmem>>
    %dma_wait3A_218 = arith.constant 0 : i32
    %dma_wait3A_219 = arith.constant 0 : i32
    %dma_wait3A_220 = tpu.memref_slice %arg3[%dma_wait3A_218, %dma_wait3A_219] : memref<8192x1024xf32, #tpu.memory_space<hbm>> -> memref<8192x1024xf32, #tpu.memory_space<hbm>>
    tpu.wait_indirect_dma semaphore(%arg11 : memref<!tpu.dma_semaphore, #tpu.memory_space<semaphore_mem>>) src(%dma_wait3A_220 : memref<8192x1024xf32, #tpu.memory_space<hbm>>) dst(%dma_wait3A_215 : memref<8x1024xf32, #tpu.memory_space<vmem>>)
    %add3A_221 = arith.constant 992 : i32
    %add3A_222 = arith.addi %mul3A_2, %add3A_221 : i32
    %multiple_of3A_223 = tpu.assume_multiple %add3A_222, 8 : i32
    %dma_start3A_224 = arith.constant 4 : i32
    %dma_start3A_225 = arith.constant 0 : i32
    %dma_start3A_226 = arith.constant 0 : i32
    %dma_start3A_227 = tpu.memref_slice %arg6[%dma_start3A_224, %dma_start3A_225, %dma_start3A_226] : memref<8x8x1024xf32, #tpu.memory_space<vmem>> -> memref<1x8x1024xf32, #tpu.memory_space<vmem>>
    %dma_start3A_228 = tpu.memref_squeeze %dma_start3A_227 : memref<1x8x1024xf32, #tpu.memory_space<vmem>> -> memref<8x1024xf32, #tpu.memory_space<vmem>>
    %dma_start3A_229 = arith.constant 0 : i32
    %dma_start3A_230 = tpu.memref_slice %arg4[%multiple_of3A_223, %dma_start3A_229] : memref<32768x1024xf32, #tpu.memory_space<hbm>> -> memref<8x1024xf32, #tpu.memory_space<hbm>>
    %dma_start3A_231 = arith.constant 0 : i32
    %dma_start3A_232 = tpu.memref_slice %arg4[%multiple_of3A_223, %dma_start3A_231] : memref<32768x1024xf32, #tpu.memory_space<hbm>> -> memref<8x1024xf32, #tpu.memory_space<hbm>>
    %dma_start3A_233 = arith.constant 0 : i32
    %dma_start3A_234 = arith.constant 0 : i32
    %dma_start3A_235 = tpu.memref_slice %arg6[%dma_start3A_224, %dma_start3A_233, %dma_start3A_234] : memref<8x8x1024xf32, #tpu.memory_space<vmem>> -> memref<1x8x1024xf32, #tpu.memory_space<vmem>>
    %dma_start3A_236 = tpu.memref_squeeze %dma_start3A_235 : memref<1x8x1024xf32, #tpu.memory_space<vmem>> -> memref<8x1024xf32, #tpu.memory_space<vmem>>
    tpu.enqueue_dma source(%dma_start3A_236 : memref<8x1024xf32, #tpu.memory_space<vmem>>) target(%dma_start3A_232 : memref<8x1024xf32, #tpu.memory_space<hbm>>) target_semaphore(%arg19 : memref<!tpu.dma_semaphore, #tpu.memory_space<semaphore_mem>>)
    %dma_wait3A_237 = arith.constant 1 : i32
    %dma_wait3A_238 = arith.constant 0 : i32
    %dma_wait3A_239 = arith.constant 0 : i32
    %dma_wait3A_240 = tpu.memref_slice %arg6[%dma_wait3A_237, %dma_wait3A_238, %dma_wait3A_239] : memref<8x8x1024xf32, #tpu.memory_space<vmem>> -> memref<1x8x1024xf32, #tpu.memory_space<vmem>>
    %dma_wait3A_241 = tpu.memref_squeeze %dma_wait3A_240 : memref<1x8x1024xf32, #tpu.memory_space<vmem>> -> memref<8x1024xf32, #tpu.memory_space<vmem>>
    %dma_wait3A_242 = arith.constant 0 : i32
    %dma_wait3A_243 = arith.constant 0 : i32
    %dma_wait3A_244 = tpu.memref_slice %arg4[%dma_wait3A_242, %dma_wait3A_243] : memref<32768x1024xf32, #tpu.memory_space<hbm>> -> memref<8x1024xf32, #tpu.memory_space<hbm>>
    %dma_wait3A_245 = arith.constant 0 : i32
    %dma_wait3A_246 = arith.constant 0 : i32
    %dma_wait3A_247 = tpu.memref_slice %arg4[%dma_wait3A_245, %dma_wait3A_246] : memref<32768x1024xf32, #tpu.memory_space<hbm>> -> memref<8x1024xf32, #tpu.memory_space<hbm>>
    %dma_wait3A_248 = arith.constant 0 : i32
    %dma_wait3A_249 = arith.constant 0 : i32
    %dma_wait3A_250 = tpu.memref_slice %arg6[%dma_wait3A_237, %dma_wait3A_248, %dma_wait3A_249] : memref<8x8x1024xf32, #tpu.memory_space<vmem>> -> memref<1x8x1024xf32, #tpu.memory_space<vmem>>
    %dma_wait3A_251 = tpu.memref_squeeze %dma_wait3A_250 : memref<1x8x1024xf32, #tpu.memory_space<vmem>> -> memref<8x1024xf32, #tpu.memory_space<vmem>>
    tpu.wait_dma2 semaphore(%arg16 : memref<!tpu.dma_semaphore, #tpu.memory_space<semaphore_mem>>) src(%dma_wait3A_251 : memref<8x1024xf32, #tpu.memory_space<vmem>>) dst(%dma_wait3A_247 : memref<8x1024xf32, #tpu.memory_space<hbm>>)
    %dma_wait3A_252 = arith.constant 5 : i32
    %dma_wait3A_253 = arith.constant 0 : i32
    %dma_wait3A_254 = arith.constant 0 : i32
    %dma_wait3A_255 = tpu.memref_slice %arg6[%dma_wait3A_252, %dma_wait3A_253, %dma_wait3A_254] : memref<8x8x1024xf32, #tpu.memory_space<vmem>> -> memref<1x8x1024xf32, #tpu.memory_space<vmem>>
    %dma_wait3A_256 = tpu.memref_squeeze %dma_wait3A_255 : memref<1x8x1024xf32, #tpu.memory_space<vmem>> -> memref<8x1024xf32, #tpu.memory_space<vmem>>
    %dma_wait3A_257 = arith.constant 0 : i32
    %dma_wait3A_258 = tpu.memref_slice %arg5[%dma_wait3A_257] : memref<1024xi32, #tpu.memory_space<vmem>> -> memref<8xi32, #tpu.memory_space<vmem>>
    %dma_wait3A_259 = arith.constant 0 : i32
    %dma_wait3A_260 = arith.constant 0 : i32
    %dma_wait3A_261 = tpu.memref_slice %arg3[%dma_wait3A_259, %dma_wait3A_260] : memref<8192x1024xf32, #tpu.memory_space<hbm>> -> memref<8192x1024xf32, #tpu.memory_space<hbm>>
    tpu.wait_indirect_dma semaphore(%arg12 : memref<!tpu.dma_semaphore, #tpu.memory_space<semaphore_mem>>) src(%dma_wait3A_261 : memref<8192x1024xf32, #tpu.memory_space<hbm>>) dst(%dma_wait3A_256 : memref<8x1024xf32, #tpu.memory_space<vmem>>)
    %add3A_262 = arith.constant 1000 : i32
    %add3A_263 = arith.addi %mul3A_2, %add3A_262 : i32
    %multiple_of3A_264 = tpu.assume_multiple %add3A_263, 8 : i32
    %dma_start3A_265 = arith.constant 5 : i32
    %dma_start3A_266 = arith.constant 0 : i32
    %dma_start3A_267 = arith.constant 0 : i32
    %dma_start3A_268 = tpu.memref_slice %arg6[%dma_start3A_265, %dma_start3A_266, %dma_start3A_267] : memref<8x8x1024xf32, #tpu.memory_space<vmem>> -> memref<1x8x1024xf32, #tpu.memory_space<vmem>>
    %dma_start3A_269 = tpu.memref_squeeze %dma_start3A_268 : memref<1x8x1024xf32, #tpu.memory_space<vmem>> -> memref<8x1024xf32, #tpu.memory_space<vmem>>
    %dma_start3A_270 = arith.constant 0 : i32
    %dma_start3A_271 = tpu.memref_slice %arg4[%multiple_of3A_264, %dma_start3A_270] : memref<32768x1024xf32, #tpu.memory_space<hbm>> -> memref<8x1024xf32, #tpu.memory_space<hbm>>
    %dma_start3A_272 = arith.constant 0 : i32
    %dma_start3A_273 = tpu.memref_slice %arg4[%multiple_of3A_264, %dma_start3A_272] : memref<32768x1024xf32, #tpu.memory_space<hbm>> -> memref<8x1024xf32, #tpu.memory_space<hbm>>
    %dma_start3A_274 = arith.constant 0 : i32
    %dma_start3A_275 = arith.constant 0 : i32
    %dma_start3A_276 = tpu.memref_slice %arg6[%dma_start3A_265, %dma_start3A_274, %dma_start3A_275] : memref<8x8x1024xf32, #tpu.memory_space<vmem>> -> memref<1x8x1024xf32, #tpu.memory_space<vmem>>
    %dma_start3A_277 = tpu.memref_squeeze %dma_start3A_276 : memref<1x8x1024xf32, #tpu.memory_space<vmem>> -> memref<8x1024xf32, #tpu.memory_space<vmem>>
    tpu.enqueue_dma source(%dma_start3A_277 : memref<8x1024xf32, #tpu.memory_space<vmem>>) target(%dma_start3A_273 : memref<8x1024xf32, #tpu.memory_space<hbm>>) target_semaphore(%arg20 : memref<!tpu.dma_semaphore, #tpu.memory_space<semaphore_mem>>)
    %dma_wait3A_278 = arith.constant 2 : i32
    %dma_wait3A_279 = arith.constant 0 : i32
    %dma_wait3A_280 = arith.constant 0 : i32
    %dma_wait3A_281 = tpu.memref_slice %arg6[%dma_wait3A_278, %dma_wait3A_279, %dma_wait3A_280] : memref<8x8x1024xf32, #tpu.memory_space<vmem>> -> memref<1x8x1024xf32, #tpu.memory_space<vmem>>
    %dma_wait3A_282 = tpu.memref_squeeze %dma_wait3A_281 : memref<1x8x1024xf32, #tpu.memory_space<vmem>> -> memref<8x1024xf32, #tpu.memory_space<vmem>>
    %dma_wait3A_283 = arith.constant 0 : i32
    %dma_wait3A_284 = arith.constant 0 : i32
    %dma_wait3A_285 = tpu.memref_slice %arg4[%dma_wait3A_283, %dma_wait3A_284] : memref<32768x1024xf32, #tpu.memory_space<hbm>> -> memref<8x1024xf32, #tpu.memory_space<hbm>>
    %dma_wait3A_286 = arith.constant 0 : i32
    %dma_wait3A_287 = arith.constant 0 : i32
    %dma_wait3A_288 = tpu.memref_slice %arg4[%dma_wait3A_286, %dma_wait3A_287] : memref<32768x1024xf32, #tpu.memory_space<hbm>> -> memref<8x1024xf32, #tpu.memory_space<hbm>>
    %dma_wait3A_289 = arith.constant 0 : i32
    %dma_wait3A_290 = arith.constant 0 : i32
    %dma_wait3A_291 = tpu.memref_slice %arg6[%dma_wait3A_278, %dma_wait3A_289, %dma_wait3A_290] : memref<8x8x1024xf32, #tpu.memory_space<vmem>> -> memref<1x8x1024xf32, #tpu.memory_space<vmem>>
    %dma_wait3A_292 = tpu.memref_squeeze %dma_wait3A_291 : memref<1x8x1024xf32, #tpu.memory_space<vmem>> -> memref<8x1024xf32, #tpu.memory_space<vmem>>
    tpu.wait_dma2 semaphore(%arg17 : memref<!tpu.dma_semaphore, #tpu.memory_space<semaphore_mem>>) src(%dma_wait3A_292 : memref<8x1024xf32, #tpu.memory_space<vmem>>) dst(%dma_wait3A_288 : memref<8x1024xf32, #tpu.memory_space<hbm>>)
    %dma_wait3A_293 = arith.constant 6 : i32
    %dma_wait3A_294 = arith.constant 0 : i32
    %dma_wait3A_295 = arith.constant 0 : i32
    %dma_wait3A_296 = tpu.memref_slice %arg6[%dma_wait3A_293, %dma_wait3A_294, %dma_wait3A_295] : memref<8x8x1024xf32, #tpu.memory_space<vmem>> -> memref<1x8x1024xf32, #tpu.memory_space<vmem>>
    %dma_wait3A_297 = tpu.memref_squeeze %dma_wait3A_296 : memref<1x8x1024xf32, #tpu.memory_space<vmem>> -> memref<8x1024xf32, #tpu.memory_space<vmem>>
    %dma_wait3A_298 = arith.constant 0 : i32
    %dma_wait3A_299 = tpu.memref_slice %arg5[%dma_wait3A_298] : memref<1024xi32, #tpu.memory_space<vmem>> -> memref<8xi32, #tpu.memory_space<vmem>>
    %dma_wait3A_300 = arith.constant 0 : i32
    %dma_wait3A_301 = arith.constant 0 : i32
    %dma_wait3A_302 = tpu.memref_slice %arg3[%dma_wait3A_300, %dma_wait3A_301] : memref<8192x1024xf32, #tpu.memory_space<hbm>> -> memref<8192x1024xf32, #tpu.memory_space<hbm>>
    tpu.wait_indirect_dma semaphore(%arg13 : memref<!tpu.dma_semaphore, #tpu.memory_space<semaphore_mem>>) src(%dma_wait3A_302 : memref<8192x1024xf32, #tpu.memory_space<hbm>>) dst(%dma_wait3A_297 : memref<8x1024xf32, #tpu.memory_space<vmem>>)
    %add3A_303 = arith.constant 1008 : i32
    %add3A_304 = arith.addi %mul3A_2, %add3A_303 : i32
    %multiple_of3A_305 = tpu.assume_multiple %add3A_304, 8 : i32
    %dma_start3A_306 = arith.constant 6 : i32
    %dma_start3A_307 = arith.constant 0 : i32
    %dma_start3A_308 = arith.constant 0 : i32
    %dma_start3A_309 = tpu.memref_slice %arg6[%dma_start3A_306, %dma_start3A_307, %dma_start3A_308] : memref<8x8x1024xf32, #tpu.memory_space<vmem>> -> memref<1x8x1024xf32, #tpu.memory_space<vmem>>
    %dma_start3A_310 = tpu.memref_squeeze %dma_start3A_309 : memref<1x8x1024xf32, #tpu.memory_space<vmem>> -> memref<8x1024xf32, #tpu.memory_space<vmem>>
    %dma_start3A_311 = arith.constant 0 : i32
    %dma_start3A_312 = tpu.memref_slice %arg4[%multiple_of3A_305, %dma_start3A_311] : memref<32768x1024xf32, #tpu.memory_space<hbm>> -> memref<8x1024xf32, #tpu.memory_space<hbm>>
    %dma_start3A_313 = arith.constant 0 : i32
    %dma_start3A_314 = tpu.memref_slice %arg4[%multiple_of3A_305, %dma_start3A_313] : memref<32768x1024xf32, #tpu.memory_space<hbm>> -> memref<8x1024xf32, #tpu.memory_space<hbm>>
    %dma_start3A_315 = arith.constant 0 : i32
    %dma_start3A_316 = arith.constant 0 : i32
    %dma_start3A_317 = tpu.memref_slice %arg6[%dma_start3A_306, %dma_start3A_315, %dma_start3A_316] : memref<8x8x1024xf32, #tpu.memory_space<vmem>> -> memref<1x8x1024xf32, #tpu.memory_space<vmem>>
    %dma_start3A_318 = tpu.memref_squeeze %dma_start3A_317 : memref<1x8x1024xf32, #tpu.memory_space<vmem>> -> memref<8x1024xf32, #tpu.memory_space<vmem>>
    tpu.enqueue_dma source(%dma_start3A_318 : memref<8x1024xf32, #tpu.memory_space<vmem>>) target(%dma_start3A_314 : memref<8x1024xf32, #tpu.memory_space<hbm>>) target_semaphore(%arg21 : memref<!tpu.dma_semaphore, #tpu.memory_space<semaphore_mem>>)
    %dma_wait3A_319 = arith.constant 3 : i32
    %dma_wait3A_320 = arith.constant 0 : i32
    %dma_wait3A_321 = arith.constant 0 : i32
    %dma_wait3A_322 = tpu.memref_slice %arg6[%dma_wait3A_319, %dma_wait3A_320, %dma_wait3A_321] : memref<8x8x1024xf32, #tpu.memory_space<vmem>> -> memref<1x8x1024xf32, #tpu.memory_space<vmem>>
    %dma_wait3A_323 = tpu.memref_squeeze %dma_wait3A_322 : memref<1x8x1024xf32, #tpu.memory_space<vmem>> -> memref<8x1024xf32, #tpu.memory_space<vmem>>
    %dma_wait3A_324 = arith.constant 0 : i32
    %dma_wait3A_325 = arith.constant 0 : i32
    %dma_wait3A_326 = tpu.memref_slice %arg4[%dma_wait3A_324, %dma_wait3A_325] : memref<32768x1024xf32, #tpu.memory_space<hbm>> -> memref<8x1024xf32, #tpu.memory_space<hbm>>
    %dma_wait3A_327 = arith.constant 0 : i32
    %dma_wait3A_328 = arith.constant 0 : i32
    %dma_wait3A_329 = tpu.memref_slice %arg4[%dma_wait3A_327, %dma_wait3A_328] : memref<32768x1024xf32, #tpu.memory_space<hbm>> -> memref<8x1024xf32, #tpu.memory_space<hbm>>
    %dma_wait3A_330 = arith.constant 0 : i32
    %dma_wait3A_331 = arith.constant 0 : i32
    %dma_wait3A_332 = tpu.memref_slice %arg6[%dma_wait3A_319, %dma_wait3A_330, %dma_wait3A_331] : memref<8x8x1024xf32, #tpu.memory_space<vmem>> -> memref<1x8x1024xf32, #tpu.memory_space<vmem>>
    %dma_wait3A_333 = tpu.memref_squeeze %dma_wait3A_332 : memref<1x8x1024xf32, #tpu.memory_space<vmem>> -> memref<8x1024xf32, #tpu.memory_space<vmem>>
    tpu.wait_dma2 semaphore(%arg18 : memref<!tpu.dma_semaphore, #tpu.memory_space<semaphore_mem>>) src(%dma_wait3A_333 : memref<8x1024xf32, #tpu.memory_space<vmem>>) dst(%dma_wait3A_329 : memref<8x1024xf32, #tpu.memory_space<hbm>>)
    %dma_wait3A_334 = arith.constant 7 : i32
    %dma_wait3A_335 = arith.constant 0 : i32
    %dma_wait3A_336 = arith.constant 0 : i32
    %dma_wait3A_337 = tpu.memref_slice %arg6[%dma_wait3A_334, %dma_wait3A_335, %dma_wait3A_336] : memref<8x8x1024xf32, #tpu.memory_space<vmem>> -> memref<1x8x1024xf32, #tpu.memory_space<vmem>>
    %dma_wait3A_338 = tpu.memref_squeeze %dma_wait3A_337 : memref<1x8x1024xf32, #tpu.memory_space<vmem>> -> memref<8x1024xf32, #tpu.memory_space<vmem>>
    %dma_wait3A_339 = arith.constant 0 : i32
    %dma_wait3A_340 = tpu.memref_slice %arg5[%dma_wait3A_339] : memref<1024xi32, #tpu.memory_space<vmem>> -> memref<8xi32, #tpu.memory_space<vmem>>
    %dma_wait3A_341 = arith.constant 0 : i32
    %dma_wait3A_342 = arith.constant 0 : i32
    %dma_wait3A_343 = tpu.memref_slice %arg3[%dma_wait3A_341, %dma_wait3A_342] : memref<8192x1024xf32, #tpu.memory_space<hbm>> -> memref<8192x1024xf32, #tpu.memory_space<hbm>>
    tpu.wait_indirect_dma semaphore(%arg14 : memref<!tpu.dma_semaphore, #tpu.memory_space<semaphore_mem>>) src(%dma_wait3A_343 : memref<8192x1024xf32, #tpu.memory_space<hbm>>) dst(%dma_wait3A_338 : memref<8x1024xf32, #tpu.memory_space<vmem>>)
    %add3A_344 = arith.constant 1016 : i32
    %add3A_345 = arith.addi %mul3A_2, %add3A_344 : i32
    %multiple_of3A_346 = tpu.assume_multiple %add3A_345, 8 : i32
    %dma_start3A_347 = arith.constant 7 : i32
    %dma_start3A_348 = arith.constant 0 : i32
    %dma_start3A_349 = arith.constant 0 : i32
    %dma_start3A_350 = tpu.memref_slice %arg6[%dma_start3A_347, %dma_start3A_348, %dma_start3A_349] : memref<8x8x1024xf32, #tpu.memory_space<vmem>> -> memref<1x8x1024xf32, #tpu.memory_space<vmem>>
    %dma_start3A_351 = tpu.memref_squeeze %dma_start3A_350 : memref<1x8x1024xf32, #tpu.memory_space<vmem>> -> memref<8x1024xf32, #tpu.memory_space<vmem>>
    %dma_start3A_352 = arith.constant 0 : i32
    %dma_start3A_353 = tpu.memref_slice %arg4[%multiple_of3A_346, %dma_start3A_352] : memref<32768x1024xf32, #tpu.memory_space<hbm>> -> memref<8x1024xf32, #tpu.memory_space<hbm>>
    %dma_start3A_354 = arith.constant 0 : i32
    %dma_start3A_355 = tpu.memref_slice %arg4[%multiple_of3A_346, %dma_start3A_354] : memref<32768x1024xf32, #tpu.memory_space<hbm>> -> memref<8x1024xf32, #tpu.memory_space<hbm>>
    %dma_start3A_356 = arith.constant 0 : i32
    %dma_start3A_357 = arith.constant 0 : i32
    %dma_start3A_358 = tpu.memref_slice %arg6[%dma_start3A_347, %dma_start3A_356, %dma_start3A_357] : memref<8x8x1024xf32, #tpu.memory_space<vmem>> -> memref<1x8x1024xf32, #tpu.memory_space<vmem>>
    %dma_start3A_359 = tpu.memref_squeeze %dma_start3A_358 : memref<1x8x1024xf32, #tpu.memory_space<vmem>> -> memref<8x1024xf32, #tpu.memory_space<vmem>>
    tpu.enqueue_dma source(%dma_start3A_359 : memref<8x1024xf32, #tpu.memory_space<vmem>>) target(%dma_start3A_355 : memref<8x1024xf32, #tpu.memory_space<hbm>>) target_semaphore(%arg22 : memref<!tpu.dma_semaphore, #tpu.memory_space<semaphore_mem>>)
    %dma_wait3A_360 = arith.constant 4 : i32
    %dma_wait3A_361 = arith.constant 0 : i32
    %dma_wait3A_362 = arith.constant 0 : i32
    %dma_wait3A_363 = tpu.memref_slice %arg6[%dma_wait3A_360, %dma_wait3A_361, %dma_wait3A_362] : memref<8x8x1024xf32, #tpu.memory_space<vmem>> -> memref<1x8x1024xf32, #tpu.memory_space<vmem>>
    %dma_wait3A_364 = tpu.memref_squeeze %dma_wait3A_363 : memref<1x8x1024xf32, #tpu.memory_space<vmem>> -> memref<8x1024xf32, #tpu.memory_space<vmem>>
    %dma_wait3A_365 = arith.constant 0 : i32
    %dma_wait3A_366 = arith.constant 0 : i32
    %dma_wait3A_367 = tpu.memref_slice %arg4[%dma_wait3A_365, %dma_wait3A_366] : memref<32768x1024xf32, #tpu.memory_space<hbm>> -> memref<8x1024xf32, #tpu.memory_space<hbm>>
    %dma_wait3A_368 = arith.constant 0 : i32
    %dma_wait3A_369 = arith.constant 0 : i32
    %dma_wait3A_370 = tpu.memref_slice %arg4[%dma_wait3A_368, %dma_wait3A_369] : memref<32768x1024xf32, #tpu.memory_space<hbm>> -> memref<8x1024xf32, #tpu.memory_space<hbm>>
    %dma_wait3A_371 = arith.constant 0 : i32
    %dma_wait3A_372 = arith.constant 0 : i32
    %dma_wait3A_373 = tpu.memref_slice %arg6[%dma_wait3A_360, %dma_wait3A_371, %dma_wait3A_372] : memref<8x8x1024xf32, #tpu.memory_space<vmem>> -> memref<1x8x1024xf32, #tpu.memory_space<vmem>>
    %dma_wait3A_374 = tpu.memref_squeeze %dma_wait3A_373 : memref<1x8x1024xf32, #tpu.memory_space<vmem>> -> memref<8x1024xf32, #tpu.memory_space<vmem>>
    tpu.wait_dma2 semaphore(%arg19 : memref<!tpu.dma_semaphore, #tpu.memory_space<semaphore_mem>>) src(%dma_wait3A_374 : memref<8x1024xf32, #tpu.memory_space<vmem>>) dst(%dma_wait3A_370 : memref<8x1024xf32, #tpu.memory_space<hbm>>)
    %dma_wait3A_375 = arith.constant 5 : i32
    %dma_wait3A_376 = arith.constant 0 : i32
    %dma_wait3A_377 = arith.constant 0 : i32
    %dma_wait3A_378 = tpu.memref_slice %arg6[%dma_wait3A_375, %dma_wait3A_376, %dma_wait3A_377] : memref<8x8x1024xf32, #tpu.memory_space<vmem>> -> memref<1x8x1024xf32, #tpu.memory_space<vmem>>
    %dma_wait3A_379 = tpu.memref_squeeze %dma_wait3A_378 : memref<1x8x1024xf32, #tpu.memory_space<vmem>> -> memref<8x1024xf32, #tpu.memory_space<vmem>>
    %dma_wait3A_380 = arith.constant 0 : i32
    %dma_wait3A_381 = arith.constant 0 : i32
    %dma_wait3A_382 = tpu.memref_slice %arg4[%dma_wait3A_380, %dma_wait3A_381] : memref<32768x1024xf32, #tpu.memory_space<hbm>> -> memref<8x1024xf32, #tpu.memory_space<hbm>>
    %dma_wait3A_383 = arith.constant 0 : i32
    %dma_wait3A_384 = arith.constant 0 : i32
    %dma_wait3A_385 = tpu.memref_slice %arg4[%dma_wait3A_383, %dma_wait3A_384] : memref<32768x1024xf32, #tpu.memory_space<hbm>> -> memref<8x1024xf32, #tpu.memory_space<hbm>>
    %dma_wait3A_386 = arith.constant 0 : i32
    %dma_wait3A_387 = arith.constant 0 : i32
    %dma_wait3A_388 = tpu.memref_slice %arg6[%dma_wait3A_375, %dma_wait3A_386, %dma_wait3A_387] : memref<8x8x1024xf32, #tpu.memory_space<vmem>> -> memref<1x8x1024xf32, #tpu.memory_space<vmem>>
    %dma_wait3A_389 = tpu.memref_squeeze %dma_wait3A_388 : memref<1x8x1024xf32, #tpu.memory_space<vmem>> -> memref<8x1024xf32, #tpu.memory_space<vmem>>
    tpu.wait_dma2 semaphore(%arg20 : memref<!tpu.dma_semaphore, #tpu.memory_space<semaphore_mem>>) src(%dma_wait3A_389 : memref<8x1024xf32, #tpu.memory_space<vmem>>) dst(%dma_wait3A_385 : memref<8x1024xf32, #tpu.memory_space<hbm>>)
    %dma_wait3A_390 = arith.constant 6 : i32
    %dma_wait3A_391 = arith.constant 0 : i32
    %dma_wait3A_392 = arith.constant 0 : i32
    %dma_wait3A_393 = tpu.memref_slice %arg6[%dma_wait3A_390, %dma_wait3A_391, %dma_wait3A_392] : memref<8x8x1024xf32, #tpu.memory_space<vmem>> -> memref<1x8x1024xf32, #tpu.memory_space<vmem>>
    %dma_wait3A_394 = tpu.memref_squeeze %dma_wait3A_393 : memref<1x8x1024xf32, #tpu.memory_space<vmem>> -> memref<8x1024xf32, #tpu.memory_space<vmem>>
    %dma_wait3A_395 = arith.constant 0 : i32
    %dma_wait3A_396 = arith.constant 0 : i32
    %dma_wait3A_397 = tpu.memref_slice %arg4[%dma_wait3A_395, %dma_wait3A_396] : memref<32768x1024xf32, #tpu.memory_space<hbm>> -> memref<8x1024xf32, #tpu.memory_space<hbm>>
    %dma_wait3A_398 = arith.constant 0 : i32
    %dma_wait3A_399 = arith.constant 0 : i32
    %dma_wait3A_400 = tpu.memref_slice %arg4[%dma_wait3A_398, %dma_wait3A_399] : memref<32768x1024xf32, #tpu.memory_space<hbm>> -> memref<8x1024xf32, #tpu.memory_space<hbm>>
    %dma_wait3A_401 = arith.constant 0 : i32
    %dma_wait3A_402 = arith.constant 0 : i32
    %dma_wait3A_403 = tpu.memref_slice %arg6[%dma_wait3A_390, %dma_wait3A_401, %dma_wait3A_402] : memref<8x8x1024xf32, #tpu.memory_space<vmem>> -> memref<1x8x1024xf32, #tpu.memory_space<vmem>>
    %dma_wait3A_404 = tpu.memref_squeeze %dma_wait3A_403 : memref<1x8x1024xf32, #tpu.memory_space<vmem>> -> memref<8x1024xf32, #tpu.memory_space<vmem>>
    tpu.wait_dma2 semaphore(%arg21 : memref<!tpu.dma_semaphore, #tpu.memory_space<semaphore_mem>>) src(%dma_wait3A_404 : memref<8x1024xf32, #tpu.memory_space<vmem>>) dst(%dma_wait3A_400 : memref<8x1024xf32, #tpu.memory_space<hbm>>)
    %dma_wait3A_405 = arith.constant 7 : i32
    %dma_wait3A_406 = arith.constant 0 : i32
    %dma_wait3A_407 = arith.constant 0 : i32
    %dma_wait3A_408 = tpu.memref_slice %arg6[%dma_wait3A_405, %dma_wait3A_406, %dma_wait3A_407] : memref<8x8x1024xf32, #tpu.memory_space<vmem>> -> memref<1x8x1024xf32, #tpu.memory_space<vmem>>
    %dma_wait3A_409 = tpu.memref_squeeze %dma_wait3A_408 : memref<1x8x1024xf32, #tpu.memory_space<vmem>> -> memref<8x1024xf32, #tpu.memory_space<vmem>>
    %dma_wait3A_410 = arith.constant 0 : i32
    %dma_wait3A_411 = arith.constant 0 : i32
    %dma_wait3A_412 = tpu.memref_slice %arg4[%dma_wait3A_410, %dma_wait3A_411] : memref<32768x1024xf32, #tpu.memory_space<hbm>> -> memref<8x1024xf32, #tpu.memory_space<hbm>>
    %dma_wait3A_413 = arith.constant 0 : i32
    %dma_wait3A_414 = arith.constant 0 : i32
    %dma_wait3A_415 = tpu.memref_slice %arg4[%dma_wait3A_413, %dma_wait3A_414] : memref<32768x1024xf32, #tpu.memory_space<hbm>> -> memref<8x1024xf32, #tpu.memory_space<hbm>>
    %dma_wait3A_416 = arith.constant 0 : i32
    %dma_wait3A_417 = arith.constant 0 : i32
    %dma_wait3A_418 = tpu.memref_slice %arg6[%dma_wait3A_405, %dma_wait3A_416, %dma_wait3A_417] : memref<8x8x1024xf32, #tpu.memory_space<vmem>> -> memref<1x8x1024xf32, #tpu.memory_space<vmem>>
    %dma_wait3A_419 = tpu.memref_squeeze %dma_wait3A_418 : memref<1x8x1024xf32, #tpu.memory_space<vmem>> -> memref<8x1024xf32, #tpu.memory_space<vmem>>
    tpu.wait_dma2 semaphore(%arg22 : memref<!tpu.dma_semaphore, #tpu.memory_space<semaphore_mem>>) src(%dma_wait3A_419 : memref<8x1024xf32, #tpu.memory_space<vmem>>) dst(%dma_wait3A_415 : memref<8x1024xf32, #tpu.memory_space<hbm>>)
    return
  }
}

</mosaic_0001>

<sc_bundles>
// kernel: kernel.3.cloned.1.call-start
scs
__scs_entry_jumppad:
0x0: {  	(pc) =	sbr.rel $0x88, $3  }
0x1: {  	(tag) =	ssettag $0x0;
	lr =	simm.s32 $0x1  }
0x2: {  	[smem:$0x3F9F] =	sst lr;
	_ =	strace $0xD0000000  }
0x3: {  	_ = 	snop  }
0x4: {  	_ = 	snop  }
0x5: {  	_ = 	snop  }
0x6: {  	_ = 	snop  }
0x7: {  	_ = 	snop  }
__scs_overlays_trampoline_lowered:
0x8: {  	[smem:$0x3FAE] =	sst s0  }
0x9: {  	[smem:$0x3FAF] =	sst s1  }
0xa: {  	[smem:$0x3FB0] =	sst s2  }
0xb: {  	[smem:$0x3FB1] =	sst s3  }
0xc: {  	[smem:$0x3FB2] =	sst s4  }
0xd: {  	[smem:$0x3FB3] =	sst s5  }
0xe: {  	[smem:$0x3FB4] =	sst s6  }
0xf: {  	[smem:$0x3FB5] =	sst s7  }
0x10: {  	[smem:$0x3FB6] =	sst s8  }
0x11: {  	[smem:$0x3FB7] =	sst s9;
	s0 =	simm.s32 @!p0 $0x0  }
0x12: {  	s1 =	sld [smem:$0x3F9D];
	s0 =	simm.s32 @p0 $0x1  }
0x13: {  	[smem:$0x3FB8] =	sst s0;
	s0 =	simm.s32 @!p1 $0x0  }
0x14: {  	s2 =	sld [smem:$0x3F9C];
	s0 =	simm.s32 @p1 $0x1  }
0x15: {  	[smem:$0x3FB9] =	sst s0;
	s0 =	simm.s32 @!p2 $0x0  }
0x16: {  	s3 =	sld [smem:$0x3FDB];
	s0 =	simm.s32 @p2 $0x1  }
0x17: {  	s4 =	simm.s32 $0x1BF5;
	[smem:$0x3FBB] =	sst s0  }
0x18: {  	s0 =	sld [smem:$0x3F9E];
	_ =	swait.ge [sflag:s4], $0x0  }
0x19: {  	s7 =	sld [smem:$0x3F9F]  }
0x1a: {  	s8 =	sadd.s32 $0xFFFFE003, lr  }
0x1b: {  	s9 =	sadd.s32 $0xFFFFFEF7, lr;
	s5 =	simm.s32 $0xFFFFFFFF;
	p2 =	slt.u32 s8, $0xFFFFF086  }
0x1c: {  	p1 =	slt.u32 s9, $0xF7A;
	s5 =	simm.s32 @!p2 $0x0  }
0x1d: {  	s5 =	simm.s32 @p1 $0x1;
	p0 =	seq.s32 s7, s2  }
0x1e: {  	s7 =	smul.u32 @!p0 $0xF7A, s2;
	p2 =	seq.s32 @!p0 s5, $0x0  }
0x1f: {  	s9 =	smul.u32 $0xF7A, s1;
	s8 =	simm.s32 @!p0 $0x1BF5;
	p2 =	por !p2, p0  }
0x20: {  	[sflag:s8] =	ssyncset.s32 @!p0 $0xFFFFF086;
	s6 =	sadd.s32 @!p0 s3, s7;
	s7 =	simm.s32 @!p0 $0x108  }
0x21: {  	s3 =	sadd.s32 s3, s9;
	s6 =	sadd.s32 @!p0 $0x88, s6;
	s7 =	simm.s32 @p2 $0x1082  }
0x22: {  	[simem:s7], [sflag:s8] =	dma.local @!p0 [hbm:s6], $0xF7A  }
0x23: {  	s9 =	sor.u32 $0xD0000000, s2;
	s6 =	simm.s32 $0x108;
	_ =	swait.ge @!p0 [sflag:s8], $0x0  }
0x24: {  	s3 =	sadd.s32 $0x88, s3;
	s6 =	simm.s32 @!p1 $0x1082;
	[sflag:s4] =	ssyncset.s32 $0xFFFFF086  }
0x25: {  	[simem:s6], [sflag:s4] =	dma.local [hbm:s3], $0xF7A  }
0x26: {  	[smem:$0x3F9F] =	sst s1;
	(tag) =	ssettag s2;
	_ =	strace s9  }
0x27: {  	s1 =	sld [smem:$0x3FAF]  }
0x28: {  	s2 =	sld [smem:$0x3FB0]  }
0x29: {  	s4 =	sld [smem:$0x3FB2]  }
0x2a: {  	p0 =	seq.s32 s5, $0x0;
	s5 =	sld [smem:$0x3FB3]  }
0x2b: {  	s6 =	sld [smem:$0x3FB4]  }
0x2c: {  	s7 =	sld [smem:$0x3FB5]  }
0x2d: {  	s3 =	simm.s32 $0x108;
	s8 =	sld [smem:$0x3FB6]  }
0x2e: {  	s3 =	simm.s32 @!p0 $0x1082;
	s9 =	sld [smem:$0x3FB7]  }
0x2f: {  	lr =	sadd.s32 s0, s3;
	s0 =	sld [smem:$0x3FAE]  }
0x30: {  	s3 =	sld [smem:$0x3FB1]  }
0x31: {  	[smem:$0x3FBA] =	sst s10  }
0x32: {  	s10 =	sld [smem:$0x3FB8];
	_ =	sdelay $0x3  }
0x33: {  	p0 =	seq.s32 s10, $0x1;
	s10 =	sld [smem:$0x3FBA];
	_ =	sdelay $0x3  }
0x34: {  	[smem:$0x3FBA] =	sst s10  }
0x35: {  	s10 =	sld [smem:$0x3FB9];
	_ =	sdelay $0x3  }
0x36: {  	p1 =	seq.s32 s10, $0x1;
	s10 =	sld [smem:$0x3FBA];
	_ =	sdelay $0x3  }
0x37: {  	[smem:$0x3FBA] =	sst s10  }
0x38: {  	s10 =	sld [smem:$0x3FBB]  }
0x39: {  	_ = 	snop;
	(pc) =	sbr.ind lr, $3  }
0x3a: {  	_ = 	snop  }
0x3b: {  	_ = 	snop  }
0x3c: {  	p2 =	seq.s32 s10, $0x1;
	s10 =	sld [smem:$0x3FBA]  }
0x3d: {  	_ =	shalt  }
0x3e: {  	_ =	shalt  }
0x3f: {  	_ =	shalt  }
0x40: {  	_ =	shalt  }
0x41: {  	_ =	shalt  }
0x42: {  	_ =	shalt  }
0x43: {  	_ =	shalt  }
0x44: {  	_ =	shalt  }
0x45: {  	_ =	shalt  }
0x46: {  	_ =	shalt  }
0x47: {  	_ =	shalt  }
0x48: {  	_ =	shalt  }
0x49: {  	_ =	shalt  }
0x4a: {  	_ =	shalt  }
0x4b: {  	_ =	shalt  }
0x4c: {  	_ =	shalt  }
0x4d: {  	_ =	shalt  }
0x4e: {  	_ =	shalt  }
0x4f: {  	_ =	shalt  }
0x50: {  	_ =	shalt  }
0x51: {  	_ =	shalt  }
0x52: {  	_ =	shalt  }
0x53: {  	_ =	shalt  }
0x54: {  	_ =	shalt  }
0x55: {  	_ =	shalt  }
0x56: {  	_ =	shalt  }
0x57: {  	_ =	shalt  }
0x58: {  	_ =	shalt  }
0x59: {  	_ =	shalt  }
0x5a: {  	_ =	shalt  }
0x5b: {  	_ =	shalt  }
0x5c: {  	_ =	shalt  }
0x5d: {  	_ =	shalt  }
0x5e: {  	_ =	shalt  }
0x5f: {  	_ =	shalt  }
0x60: {  	_ =	shalt  }
0x61: {  	_ =	shalt  }
0x62: {  	_ =	shalt  }
0x63: {  	_ =	shalt  }
0x64: {  	_ =	shalt  }
0x65: {  	_ =	shalt  }
0x66: {  	_ =	shalt  }
0x67: {  	_ =	shalt  }
0x68: {  	_ =	shalt  }
0x69: {  	_ =	shalt  }
0x6a: {  	_ =	shalt  }
0x6b: {  	_ =	shalt  }
0x6c: {  	_ =	shalt  }
0x6d: {  	_ =	shalt  }
0x6e: {  	_ =	shalt  }
0x6f: {  	_ =	shalt  }
0x70: {  	_ =	shalt  }
0x71: {  	_ =	shalt  }
0x72: {  	_ =	shalt  }
0x73: {  	_ =	shalt  }
0x74: {  	_ =	shalt  }
0x75: {  	_ =	shalt  }
0x76: {  	_ =	shalt  }
0x77: {  	_ =	shalt  }
0x78: {  	_ =	shalt  }
0x79: {  	_ =	shalt  }
0x7a: {  	_ =	shalt  }
0x7b: {  	_ =	shalt  }
0x7c: {  	_ =	shalt  }
0x7d: {  	_ =	shalt  }
0x7e: {  	_ =	shalt  }
0x7f: {  	_ =	shalt  }
0x80: {  	_ =	shalt  }
0x81: {  	_ =	shalt  }
0x82: {  	_ =	shalt  }
0x83: {  	_ =	shalt  }
0x84: {  	_ =	shalt  }
0x85: {  	_ =	shalt  }
0x86: {  	_ =	shalt  }
0x87: {  	_ =	shalt  }
.Lfunc_end0:
.L_simem_size_0:
called_computation_lowered:
.L_overlay_start_0:
0x88: {  	s2 =	sld [smem:$0x3FD9]  }
0x89: {  	s3 =	sld [smem:$0x3FFE];
	_ =	sdelay $0x1  }
0x8a: {  	s1 =	srdreg.scid  }
0x8b: {  	s0 =	sand.u32 $0x1, s1  }
0x8c: {  	s17 =	sshll.u32 s0, $0xA;
	s2 =	sadd.s32 s3, s2  }
0x8d: {  	s2 =	sadd.s32 s2, s17  }
0x8e: {  	[smem:$0x3FC6] =	sst s2  }
0x8f: {  	_ = 	snop  }
0x90: {  	s2 =	sld [smem:$0x3FC9]  }
0x91: {  	s18 =	sld [smem:$0x3FD0];
	(tm) =	ssettm $0x1  }
0x92: {  	s4 =	sld [smem:$0x3FFB];
	_ =	sdelay $0x3  }
0x93: {  	_ =	strace s4  }
0x94: {  	s4 =	sld [smem:$0x3FFC];
	_ =	sdelay $0x3  }
0x95: {  	_ =	strace s4  }
0x96: {  	s4 =	sld [smem:$0x3FFD];
	_ =	sdelay $0x3  }
0x97: {  	_ =	strace s4  }
0x98: {  	_ =	strace $0x8FFFFFFF  }
0x99: {  	s19 =	sld [smem:$0x3FDB];
	_ =	sdelay $0x1  }
0x9a: {  	s5 =	simm.s32 $_scs_section_size  }
0x9b: {  	s6 =	simm.s32 $_size__tile_overlayer_lowered;
	s7 =	simm.s32 $_tile_overlayer_lowered  }
0x9c: {  	s22 =	simm.s32 $0x1BFF;
	s21 =	sshll.u32 s7, $0x1;
	s4 =	sadd.s32 s5, s19  }
0x9d: {  	s8 =	simm.s32 $0x0;
	s20 =	sshll.u32 s6, $0x1;
	s6 =	sadd.s32 s21, s4  }
0x9e: {  	[timem:s8], [sflag:s22] =	dma.local [hbm:s6], s20  }
0x9f: {  	_ =	swait.ge [sflag:s22], s20  }
0xa0: {  	s5 =	ssub.s32 $0x0, s20;
	[sflag:s22] =	ssyncset.done $0x0  }
0xa1: {  	[sflag:s22] =	ssyncadd.s32 s5;
	_ =	sdelay $0x1  }
0xa2: {  	s23 =	simm.s32 $0x1B8B  }
0xa3: {  	_ =	swait.ge [sflag:s23], $0x1  }
0xa4: {  	[sflag:s23] =	ssyncset.done $0x0  }
0xa5: {  	s25 =	simm.s32 $0x1B8E;
	s24 =	sld [smem:$0x3FFE];
	[sflag:s23] =	ssyncadd.s32 $0xFFFFFFFF  }
0xa6: {  	s26 =	simm.s32 $execute0_lowered;
	[smem:$0x3FD2] =	sst s25  }
0xa7: {  	s6 =	sshll.u32 s26, $0x1;
	_ =	strace $0x80000046;
	[dreg:$0x1] =	wrdreg $0xFFFFFFFF  }
0xa8: {  	s28 =	simm.s32 $_size_execute0_lowered;
	s4 =	sadd.s32 s4, s6;
	[dreg:$0x0] =	wrdreg $0x0  }
0xa9: {  	s6 =	sshll.u32 s28, $0x1;
	[dreg:$0x2] =	wrdreg s4  }
0xaa: {  	[dreg:$0x3] =	wrdreg s6  }
0xab: {  	[dreg:$0x4] =	wrdreg $0xC0  }
0xac: {  	_ =	task [dreg:s8], $0x5FFFF  }
0xad: {  	[dreg:$0x1] =	wrdreg $0xFFFFFFFF  }
0xae: {  	[dreg:$0x0] =	wrdreg $0x60  }
0xaf: {  	[dreg:$0x2] =	wrdreg s24  }
0xb0: {  	[dreg:$0x3] =	wrdreg s2  }
0xb1: {  	[dreg:$0x4] =	wrdreg s18  }
0xb2: {  	[dreg:$0x5] =	wrdreg $0x9  }
0xb3: {  	_ =	task.clear_ibuf [dreg:s8], $0x6FFFF;
	_ =	strace $0x90000046  }
0xb4: {  	s29 =	simm.s32 $0x9;
	_ =	strace $0x80000048  }
0xb5: {  	_ =	swait.ge [sflag:s29], $0x1  }
0xb6: {  	[sflag:s29] =	ssyncadd.s32 $0xFFFFFFFF  }
0xb7: {  	_ =	strace $0x90000048  }
0xb8: {  	_ =	sfence  }
0xb9: {  	s30 =	sld [smem:$0x0];
	_ =	sdelay $0x2  }
0xba: {  	s31 =	sshll.u32 s1, $0xD;
	s1 =	sshrl.u32 s1, $0x2  }
0xbb: {  	s3 =	sand.u32 $0x4000, s31;
	s1 =	sadd.s32 s1, s30  }
0xbc: {  	s0 =	sor.u32 s3, s0;
	s1 =	sshll.u32 s1, $0x11  }
0xbd: {  	s0 =	sor.u32 s1, s0  }
0xbe: {  	s0 =	sadd.s32 $0x8F2B, s0  }
0xbf: {  	[sflag:s0] =	ssyncadd.remote.s32 $0x1  }
0xc0: {  	_ =	sfence.sel $0xFFFF  }
0xc1: {  	[dreg:$0x0] =	wrdreg $0xFFFFFFFF;
	(pc) =	sbr.abs _section_cstart, $3  }
0xc2: {  	[dreg:$0x1] =	wrdreg $0xFFFFFFFF  }
0xc3: {  	_ =	task.clear_ibuf [dreg:s8], $0x2FFFF;
	_ =	strace $0x9FFFFFFF  }
0xc4: {  	(tm) =	ssettm $0x7FFFFFFF  }
0xc5: {  	_ =	shalt  }
tec
execute0_lowered:
.L_overlay_start_1:
0x0: {  	(tag) =	ssettag $0x1  }
0x1: {  	s0 =	rddreg [dreg:$0x0]  }
0x2: {  	s2 =	rddreg [dreg:$0x1]  }
0x3: {  	s1 =	srdreg.scid;
	s4 =	rddreg [dreg:$0x2]  }
0x4: {  	s9 =	stileid.u32;
	s3 =	simm.s32 $0x0;
	s29 =	simm.s32 $0x1C00  }
0x5: {  	s11 =	simm.s32 $0x2400;
	s31 =	simm.s32 $0x2C00;
	s30 =	simm.s32 $0x1  }
0x6: {  	s14 =	simm.s32 $0xA400;
	s13 =	simm.s32 $0xC400;
	s12 =	simm.s32 $0xCC00  }
0x7: {  	s15 =	simm.s32 $0x6;
	s16 =	simm.s32 $0xB;
	s28 =	simm.s32 $0x400  }
0x8: {  	s1 =	sand.u32 $0x1, s1;
	s5 =	sshll.u32 s9, $0xB;
	[smem:$0x7FF] =	sst s3  }
0x9: {  	s23 =	sshll.u32 s9, $0x12;
	s9 =	simm.s32 $0x1400;
	s6 =	sshll.u32 s1, $0xA  }
0xa: {  	s17 =	ssub.s32 $0x2, s1;
	_ =	strace $0x80000047;
	s6 =	sor.u32 s6, s5  }
0xb: {  	s1 =	sshll.u32 s1, $0x11;
	s8 =	sshrl.u32 s17, $0x1;
	s18 =	sshll.u32 s6, $0x7  }
0xc: {  	s7 =	sshrl.u32 s6, $0x3;
	s8 =	ssub.s32 s17, s8;
	s10 =	sadd.s32 s4, s18  }
0xd: {  	s0 =	sadd.s32 s7, s0;
	s26 =	smax.u32 s8, $0x1;
	[dreg:$0x6] =	wrdreg s10  }
0xe: {  	s5 =	sadd.s32 $0x100, s2;
	s0 =	sadd.s32 $0x400, s0;
	[dreg:$0xe] =	wrdreg s26  }
0xf: {  	s6 =	sadd.s32 $0x200, s2;
	s19 =	sadd.s32 $0x800, s10;
	[dreg:$0x5] =	wrdreg s0  }
0x10: {  	s17 =	simm.s32 $0x2;
	s20 =	sadd.s32 $0xC00, s10;
	[dreg:$0x8] =	wrdreg s19  }
0x11: {  	s7 =	sadd.s32 $0x300, s2;
	s21 =	sadd.s32 $0x1F000, s10;
	[dreg:$0x9] =	wrdreg s20  }
0x12: {  	s8 =	simm.s32 $0x0;
	s22 =	sadd.s32 $0x1F400, s10;
	[dreg:$0xa] =	wrdreg s21  }
0x13: {  	s24 =	sadd.s32 $0x1F800, s10;
	s25 =	sadd.s32 $0x1FC00, s10;
	[dreg:$0xb] =	wrdreg s22  }
0x14: {  	s26 =	simm.s32 $0xC00;
	s0 =	sadd.s32 $0x400, s10;
	[dreg:$0xc] =	wrdreg s24  }
0x15: {  	[dreg:$0xd] =	wrdreg s25;
	s24 =	simm.s32 $0x400;
	s19 =	simm.s32 $0x8400  }
0x16: {  	s25 =	simm.s32 $0x8C00;
	s22 =	simm.s32 $0xE400;
	s20 =	simm.s32 $0xC  }
0x17: {  	v0 =	vlaneseq.u32;
	s21 =	simm.s32 $0x8;
	[dreg:$0x7] =	wrdreg s0;
	s0 =	sadd.s32 s23, s4  }
0x18: {  	v1 =	vshrl.u32 v0, $0x3;
	s4 =	simm.s32 $0xFC00;
	s23 =	simm.s32 $0x2400;
	s0 =	sadd.s32 s1, s0  }
0x19: {  	vm0 =	vmmov $0xffff;
	v0 =	vand.u32 $0x7, v0;
	v1 =	vmul.u32 $0x8, v1;
	s1 =	simm.s32 $0xEC00;
	[dreg:$0x4] =	wrdreg s0;
	s0 =	simm.s32 $0xDC00  }
.LBB2_1:
0x1a: {  	[dreg:$0xf] =	wrdreg s8  }
0x1b: {  	s18 =	rddreg [dreg:$0x5];
	s8 =	simm.s32 $0x11  }
0x1c: {  	[tilespmem:s3], [sflag:$0x11] =	stream.linear.gather [hbm4b:s18+s3], $0x400, $0x38;
	[tilespmem:$0x10400] =	vst v63  }
0x1d: {  	_ =	swait.ge [sflag:s8], $0x400  }
0x1e: {  	[sflag:s8] =	ssyncset.done $0x0  }
0x1f: {  	[sflag:s8] =	ssyncadd.s32 $0xFFFFFC00  }
0x20: {  	v2 =	vld.msk [tilespmem:$0x0], $0xff;
	_ =	sdelay $0x4  }
0x21: {  	v3 =	vshll.u32 v2, $0x3  }
0x22: {  	v2 =	vand.u32 $0x7, v2;
	v3 =	vand.u32 $0xFFFFFFC0, v3  }
0x23: {  	v2 =	vor.u32 v2, v3  }
0x24: {  	v2 =	vperm.xlane v2, v0;
	_ =	sdelay $0x1  }
0x25: {  	v2 =	vadd.s32 v1, v2;
	_ =	sdelay $0x4  }
0x26: {  	[tilespmem:s24], [sflag:$0x1] =	stream.indirect_vreg.gather [hbm4b:s2+s3], $0x80, v2, vm0, $0xb8;
	[tilespmem:$0x10400] =	vst v63  }
0x27: {  	_ = 	snop  }
0x28: {  	[tilespmem:s26], [sflag:$0x1] =	stream.indirect_vreg.gather [hbm4b:s5+s3], $0x80, v2, vm0, $0xb8;
	[tilespmem:$0x10400] =	vst v63  }
0x29: {  	_ = 	snop  }
0x2a: {  	[tilespmem:s9], [sflag:$0x1] =	stream.indirect_vreg.gather [hbm4b:s6+s3], $0x80, v2, vm0, $0xb8;
	[tilespmem:$0x10400] =	vst v63  }
0x2b: {  	_ = 	snop  }
0x2c: {  	[tilespmem:s29], [sflag:$0x1] =	stream.indirect_vreg.gather [hbm4b:s7+s3], $0x80, v2, vm0, $0xb8;
	[tilespmem:$0x10400] =	vst v63  }
0x2d: {  	v2 =	vld.msk [tilespmem:$0x8], $0xff;
	_ =	sdelay $0x4  }
0x2e: {  	v3 =	vshll.u32 v2, $0x3  }
0x2f: {  	v2 =	vand.u32 $0x7, v2;
	v3 =	vand.u32 $0xFFFFFFC0, v3  }
0x30: {  	v2 =	vor.u32 v2, v3  }
0x31: {  	v2 =	vperm.xlane v2, v0;
	_ =	sdelay $0x1  }
0x32: {  	v2 =	vadd.s32 v1, v2;
	_ =	sdelay $0x4  }
0x33: {  	[tilespmem:s11], [sflag:$0x2] =	stream.indirect_vreg.gather [hbm4b:s2+s3], $0x80, v2, vm0, $0xb8;
	[tilespmem:$0x10400] =	vst v63  }
0x34: {  	_ = 	snop  }
0x35: {  	[tilespmem:s31], [sflag:$0x2] =	stream.indirect_vreg.gather [hbm4b:s5+s3], $0x80, v2, vm0, $0xb8;
	[tilespmem:$0x10400] =	vst v63  }
0x36: {  	s10 =	simm.s32 $0x3400  }
0x37: {  	[tilespmem:s10], [sflag:$0x2] =	stream.indirect_vreg.gather [hbm4b:s6+s3], $0x80, v2, vm0, $0xb8;
	[tilespmem:$0x10400] =	vst v63  }
0x38: {  	s18 =	simm.s32 $0x3C00  }
0x39: {  	[tilespmem:s18], [sflag:$0x2] =	stream.indirect_vreg.gather [hbm4b:s7+s3], $0x80, v2, vm0, $0xb8;
	[tilespmem:$0x10400] =	vst v63  }
0x3a: {  	v2 =	vld.msk [tilespmem:$0x10], $0xff;
	_ =	sdelay $0x4  }
0x3b: {  	v3 =	vshll.u32 v2, $0x3  }
0x3c: {  	v2 =	vand.u32 $0x7, v2;
	v3 =	vand.u32 $0xFFFFFFC0, v3  }
0x3d: {  	v2 =	vor.u32 v2, v3  }
0x3e: {  	v2 =	vperm.xlane v2, v0;
	_ =	sdelay $0x1  }
0x3f: {  	v2 =	vadd.s32 v1, v2;
	_ =	sdelay $0x3  }
0x40: {  	s8 =	simm.s32 $0x4400  }
0x41: {  	[tilespmem:s8], [sflag:$0x3] =	stream.indirect_vreg.gather [hbm4b:s2+s3], $0x80, v2, vm0, $0xb8;
	[tilespmem:$0x10400] =	vst v63  }
0x42: {  	s26 =	simm.s32 $0x4C00  }
0x43: {  	[tilespmem:s26], [sflag:$0x3] =	stream.indirect_vreg.gather [hbm4b:s5+s3], $0x80, v2, vm0, $0xb8;
	[tilespmem:$0x10400] =	vst v63  }
0x44: {  	s10 =	simm.s32 $0x5400  }
0x45: {  	[tilespmem:s10], [sflag:$0x3] =	stream.indirect_vreg.gather [hbm4b:s6+s3], $0x80, v2, vm0, $0xb8;
	[tilespmem:$0x10400] =	vst v63  }
0x46: {  	s18 =	simm.s32 $0x5C00  }
0x47: {  	[tilespmem:s18], [sflag:$0x3] =	stream.indirect_vreg.gather [hbm4b:s7+s3], $0x80, v2, vm0, $0xb8;
	[tilespmem:$0x10400] =	vst v63  }
0x48: {  	v2 =	vld.msk [tilespmem:$0x18], $0xff;
	_ =	sdelay $0x4  }
0x49: {  	v3 =	vshll.u32 v2, $0x3  }
0x4a: {  	v2 =	vand.u32 $0x7, v2;
	v3 =	vand.u32 $0xFFFFFFC0, v3  }
0x4b: {  	v2 =	vor.u32 v2, v3  }
0x4c: {  	v2 =	vperm.xlane v2, v0;
	_ =	sdelay $0x1  }
0x4d: {  	v2 =	vadd.s32 v1, v2;
	_ =	sdelay $0x3  }
0x4e: {  	s9 =	simm.s32 $0x6400  }
0x4f: {  	[tilespmem:s9], [sflag:$0x4] =	stream.indirect_vreg.gather [hbm4b:s2+s3], $0x80, v2, vm0, $0xb8;
	[tilespmem:$0x10400] =	vst v63  }
0x50: {  	s10 =	simm.s32 $0x6C00  }
0x51: {  	[tilespmem:s10], [sflag:$0x4] =	stream.indirect_vreg.gather [hbm4b:s5+s3], $0x80, v2, vm0, $0xb8;
	[tilespmem:$0x10400] =	vst v63  }
0x52: {  	s26 =	simm.s32 $0x7400  }
0x53: {  	[tilespmem:s26], [sflag:$0x4] =	stream.indirect_vreg.gather [hbm4b:s6+s3], $0x80, v2, vm0, $0xb8;
	[tilespmem:$0x10400] =	vst v63  }
0x54: {  	s18 =	simm.s32 $0x7C00  }
0x55: {  	[tilespmem:s18], [sflag:$0x4] =	stream.indirect_vreg.gather [hbm4b:s7+s3], $0x80, v2, vm0, $0xb8;
	[tilespmem:$0x10400] =	vst v63  }
0x56: {  	v2 =	vld.msk [tilespmem:$0x20], $0xff;
	_ =	sdelay $0x4  }
0x57: {  	v3 =	vshll.u32 v2, $0x3  }
0x58: {  	v2 =	vand.u32 $0x7, v2;
	v3 =	vand.u32 $0xFFFFFFC0, v3  }
0x59: {  	v2 =	vor.u32 v2, v3  }
0x5a: {  	v2 =	vperm.xlane v2, v0;
	_ =	sdelay $0x1  }
0x5b: {  	v2 =	vadd.s32 v1, v2;
	_ =	sdelay $0x4  }
0x5c: {  	[tilespmem:s19], [sflag:$0x5] =	stream.indirect_vreg.gather [hbm4b:s2+s3], $0x80, v2, vm0, $0xb8;
	[tilespmem:$0x10400] =	vst v63  }
0x5d: {  	_ = 	snop  }
0x5e: {  	[tilespmem:s25], [sflag:$0x5] =	stream.indirect_vreg.gather [hbm4b:s5+s3], $0x80, v2, vm0, $0xb8;
	[tilespmem:$0x10400] =	vst v63  }
0x5f: {  	s26 =	simm.s32 $0x9400  }
0x60: {  	[tilespmem:s26], [sflag:$0x5] =	stream.indirect_vreg.gather [hbm4b:s6+s3], $0x80, v2, vm0, $0xb8;
	[tilespmem:$0x10400] =	vst v63  }
0x61: {  	s18 =	simm.s32 $0x9C00  }
0x62: {  	[tilespmem:s18], [sflag:$0x5] =	stream.indirect_vreg.gather [hbm4b:s7+s3], $0x80, v2, vm0, $0xb8;
	[tilespmem:$0x10400] =	vst v63  }
0x63: {  	_ =	swait.ge [sflag:s30], $0x2000  }
0x64: {  	[sflag:s30] =	ssyncset.done $0x0  }
0x65: {  	s19 =	rddreg [dreg:$0x6];
	[sflag:s30] =	ssyncadd.s32 $0xFFFFE000  }
0x66: {  	[hbm4b:s19+s3] =	stream.linear.scatter [tilespmem:s24], [sflag:$0x9], $0x2000, $0x38;
	[tilespmem:$0x10400] =	vst v63  }
0x67: {  	v2 =	vld.msk [tilespmem:$0x28], $0xff;
	_ =	sdelay $0x4  }
0x68: {  	v3 =	vshll.u32 v2, $0x3  }
0x69: {  	v2 =	vand.u32 $0x7, v2;
	v3 =	vand.u32 $0xFFFFFFC0, v3  }
0x6a: {  	v2 =	vor.u32 v2, v3  }
0x6b: {  	v2 =	vperm.xlane v2, v0;
	_ =	sdelay $0x1  }
0x6c: {  	v2 =	vadd.s32 v1, v2;
	_ =	sdelay $0x4  }
0x6d: {  	[tilespmem:s14], [sflag:$0x6] =	stream.indirect_vreg.gather [hbm4b:s2+s3], $0x80, v2, vm0, $0xb8;
	[tilespmem:$0x10400] =	vst v63  }
0x6e: {  	s25 =	simm.s32 $0xAC00  }
0x6f: {  	[tilespmem:s25], [sflag:$0x6] =	stream.indirect_vreg.gather [hbm4b:s5+s3], $0x80, v2, vm0, $0xb8;
	[tilespmem:$0x10400] =	vst v63  }
0x70: {  	s26 =	simm.s32 $0xB400  }
0x71: {  	[tilespmem:s26], [sflag:$0x6] =	stream.indirect_vreg.gather [hbm4b:s6+s3], $0x80, v2, vm0, $0xb8;
	[tilespmem:$0x10400] =	vst v63  }
0x72: {  	s14 =	simm.s32 $0xBC00  }
0x73: {  	[tilespmem:s14], [sflag:$0x6] =	stream.indirect_vreg.gather [hbm4b:s7+s3], $0x80, v2, vm0, $0xb8;
	[tilespmem:$0x10400] =	vst v63  }
0x74: {  	_ =	swait.ge [sflag:s17], $0x2000  }
0x75: {  	[sflag:s17] =	ssyncset.done $0x0  }
0x76: {  	[sflag:s17] =	ssyncadd.s32 $0xFFFFE000;
	s17 =	rddreg [dreg:$0x7]  }
0x77: {  	[hbm4b:s17+s3] =	stream.linear.scatter [tilespmem:s11], [sflag:$0xA], $0x2000, $0x38;
	[tilespmem:$0x10400] =	vst v63  }
0x78: {  	v2 =	vld.msk [tilespmem:$0x30], $0xff;
	_ =	sdelay $0x4  }
0x79: {  	v3 =	vshll.u32 v2, $0x3  }
0x7a: {  	v2 =	vand.u32 $0x7, v2;
	v3 =	vand.u32 $0xFFFFFFC0, v3  }
0x7b: {  	v2 =	vor.u32 v2, v3  }
0x7c: {  	v2 =	vperm.xlane v2, v0;
	_ =	sdelay $0x1  }
0x7d: {  	v2 =	vadd.s32 v1, v2;
	_ =	sdelay $0x4  }
0x7e: {  	[tilespmem:s13], [sflag:$0x7] =	stream.indirect_vreg.gather [hbm4b:s2+s3], $0x80, v2, vm0, $0xb8;
	[tilespmem:$0x10400] =	vst v63  }
0x7f: {  	_ = 	snop  }
0x80: {  	[tilespmem:s12], [sflag:$0x7] =	stream.indirect_vreg.gather [hbm4b:s5+s3], $0x80, v2, vm0, $0xb8;
	[tilespmem:$0x10400] =	vst v63  }
0x81: {  	s19 =	simm.s32 $0xD400  }
0x82: {  	[tilespmem:s19], [sflag:$0x7] =	stream.indirect_vreg.gather [hbm4b:s6+s3], $0x80, v2, vm0, $0xb8;
	[tilespmem:$0x10400] =	vst v63  }
0x83: {  	_ = 	snop  }
0x84: {  	[tilespmem:s0], [sflag:$0x7] =	stream.indirect_vreg.gather [hbm4b:s7+s3], $0x80, v2, vm0, $0xb8;
	[tilespmem:$0x10400] =	vst v63  }
0x85: {  	s0 =	simm.s32 $0x3  }
0x86: {  	_ =	swait.ge [sflag:s0], $0x2000  }
0x87: {  	[sflag:s0] =	ssyncset.done $0x0  }
0x88: {  	s24 =	rddreg [dreg:$0x8];
	[sflag:s0] =	ssyncadd.s32 $0xFFFFE000  }
0x89: {  	[hbm4b:s24+s3] =	stream.linear.scatter [tilespmem:s8], [sflag:$0xB], $0x2000, $0x38;
	[tilespmem:$0x10400] =	vst v63  }
0x8a: {  	v2 =	vld.msk [tilespmem:$0x38], $0xff;
	_ =	sdelay $0x4  }
0x8b: {  	v3 =	vshll.u32 v2, $0x3  }
0x8c: {  	v2 =	vand.u32 $0x7, v2;
	v3 =	vand.u32 $0xFFFFFFC0, v3  }
0x8d: {  	v2 =	vor.u32 v2, v3  }
0x8e: {  	v2 =	vperm.xlane v2, v0;
	_ =	sdelay $0x1  }
0x8f: {  	v2 =	vadd.s32 v1, v2;
	_ =	sdelay $0x4  }
0x90: {  	[tilespmem:s22], [sflag:$0x8] =	stream.indirect_vreg.gather [hbm4b:s2+s3], $0x80, v2, vm0, $0xb8;
	[tilespmem:$0x10400] =	vst v63  }
0x91: {  	_ = 	snop  }
0x92: {  	[tilespmem:s1], [sflag:$0x8] =	stream.indirect_vreg.gather [hbm4b:s5+s3], $0x80, v2, vm0, $0xb8;
	[tilespmem:$0x10400] =	vst v63  }
0x93: {  	s25 =	simm.s32 $0xF400  }
0x94: {  	[tilespmem:s25], [sflag:$0x8] =	stream.indirect_vreg.gather [hbm4b:s6+s3], $0x80, v2, vm0, $0xb8;
	[tilespmem:$0x10400] =	vst v63  }
0x95: {  	s29 =	simm.s32 $0x78  }
0x96: {  	[tilespmem:s4], [sflag:$0x8] =	stream.indirect_vreg.gather [hbm4b:s7+s3], $0x80, v2, vm0, $0xb8;
	[tilespmem:$0x10400] =	vst v63  }
0x97: {  	s31 =	simm.s32 $0x1;
	s10 =	simm.s32 $0x9;
	s4 =	simm.s32 $0x4  }
0x98: {  	s30 =	simm.s32 $0x0;
	s11 =	simm.s32 $0x5;
	_ =	swait.ge [sflag:s4], $0x2000  }
0x99: {  	s12 =	simm.s32 $0xA;
	s24 =	simm.s32 $0x2;
	[sflag:s4] =	ssyncset.done $0x0  }
0x9a: {  	s8 =	simm.s32 $0x7;
	s26 =	rddreg [dreg:$0x9];
	[sflag:s4] =	ssyncadd.s32 $0xFFFFE000  }
0x9b: {  	[hbm4b:s26+s3] =	stream.linear.scatter [tilespmem:s9], [sflag:$0xC], $0x2000, $0x38;
	[tilespmem:$0x10400] =	vst v63  }
.LBB2_2:
0x9c: {  	_ =	swait.ge [sflag:s10], $0x2000  }
0x9d: {  	[sflag:s10] =	ssyncset.done $0x0  }
0x9e: {  	[sflag:s10] =	ssyncadd.s32 $0xFFFFE000  }
0x9f: {  	v2 =	vld.msk [tilespmem:s29+$0xFFFFFFC8], $0xff;
	_ =	sdelay $0x4  }
0xa0: {  	v3 =	vshll.u32 v2, $0x3  }
0xa1: {  	v2 =	vand.u32 $0x7, v2;
	v3 =	vand.u32 $0xFFFFFFC0, v3  }
0xa2: {  	v2 =	vor.u32 v2, v3  }
0xa3: {  	v2 =	vperm.xlane v2, v0;
	_ =	sdelay $0x1  }
0xa4: {  	v2 =	vadd.s32 v1, v2;
	_ =	sdelay $0x4  }
0xa5: {  	[tilespmem:s28], [sflag:$0x1] =	stream.indirect_vreg.gather [hbm4b:s2+s3], $0x80, v2, vm0, $0xb8;
	[tilespmem:$0x10400] =	vst v63  }
0xa6: {  	s1 =	simm.s32 $0xC00  }
0xa7: {  	[tilespmem:s1], [sflag:$0x1] =	stream.indirect_vreg.gather [hbm4b:s5+s3], $0x80, v2, vm0, $0xb8;
	[tilespmem:$0x10400] =	vst v63  }
0xa8: {  	s25 =	simm.s32 $0x1400  }
0xa9: {  	[tilespmem:s25], [sflag:$0x1] =	stream.indirect_vreg.gather [hbm4b:s6+s3], $0x80, v2, vm0, $0xb8;
	[tilespmem:$0x10400] =	vst v63  }
0xaa: {  	s26 =	simm.s32 $0x1C00  }
0xab: {  	[tilespmem:s26], [sflag:$0x1] =	stream.indirect_vreg.gather [hbm4b:s7+s3], $0x80, v2, vm0, $0xb8;
	[tilespmem:$0x10400] =	vst v63  }
0xac: {  	_ =	swait.ge [sflag:s11], $0x2000  }
0xad: {  	s18 =	rddreg [dreg:$0x4]  }
0xae: {  	[sflag:s11] =	ssyncset.done $0x0;
	s18 =	sadd.s32 s30, s18  }
0xaf: {  	s25 =	simm.s32 $0x8400;
	[sflag:s11] =	ssyncadd.s32 $0xFFFFE000;
	s22 =	sadd.s32 $0x1000, s18  }
0xb0: {  	[hbm4b:s22+s3] =	stream.linear.scatter [tilespmem:s25], [sflag:$0xD], $0x2000, $0x38;
	[tilespmem:$0x10400] =	vst v63  }
0xb1: {  	_ =	swait.ge [sflag:s12], $0x2000  }
0xb2: {  	[sflag:s12] =	ssyncset.done $0x0  }
0xb3: {  	[sflag:s12] =	ssyncadd.s32 $0xFFFFE000  }
0xb4: {  	v2 =	vld.msk [tilespmem:s29+$0xFFFFFFD0], $0xff;
	_ =	sdelay $0x4  }
0xb5: {  	v3 =	vshll.u32 v2, $0x3  }
0xb6: {  	v2 =	vand.u32 $0x7, v2;
	v3 =	vand.u32 $0xFFFFFFC0, v3  }
0xb7: {  	v2 =	vor.u32 v2, v3  }
0xb8: {  	v2 =	vperm.xlane v2, v0;
	_ =	sdelay $0x1  }
0xb9: {  	v2 =	vadd.s32 v1, v2;
	_ =	sdelay $0x4  }
0xba: {  	[tilespmem:s23], [sflag:$0x2] =	stream.indirect_vreg.gather [hbm4b:s2+s3], $0x80, v2, vm0, $0xb8;
	[tilespmem:$0x10400] =	vst v63  }
0xbb: {  	s9 =	simm.s32 $0x2C00  }
0xbc: {  	[tilespmem:s9], [sflag:$0x2] =	stream.indirect_vreg.gather [hbm4b:s5+s3], $0x80, v2, vm0, $0xb8;
	[tilespmem:$0x10400] =	vst v63  }
0xbd: {  	s13 =	simm.s32 $0x3400  }
0xbe: {  	[tilespmem:s13], [sflag:$0x2] =	stream.indirect_vreg.gather [hbm4b:s6+s3], $0x80, v2, vm0, $0xb8;
	[tilespmem:$0x10400] =	vst v63  }
0xbf: {  	s14 =	simm.s32 $0x3C00  }
0xc0: {  	[tilespmem:s14], [sflag:$0x2] =	stream.indirect_vreg.gather [hbm4b:s7+s3], $0x80, v2, vm0, $0xb8;
	[tilespmem:$0x10400] =	vst v63  }
0xc1: {  	_ =	swait.ge [sflag:s15], $0x2000  }
0xc2: {  	[sflag:s15] =	ssyncset.done $0x0  }
0xc3: {  	s17 =	sadd.s32 $0x1400, s18;
	s13 =	simm.s32 $0xA400;
	[sflag:s15] =	ssyncadd.s32 $0xFFFFE000  }
0xc4: {  	[hbm4b:s17+s3] =	stream.linear.scatter [tilespmem:s13], [sflag:$0xE], $0x2000, $0x38;
	[tilespmem:$0x10400] =	vst v63  }
0xc5: {  	_ =	swait.ge [sflag:s16], $0x2000  }
0xc6: {  	[sflag:s16] =	ssyncset.done $0x0  }
0xc7: {  	[sflag:s16] =	ssyncadd.s32 $0xFFFFE000  }
0xc8: {  	v2 =	vld.msk [tilespmem:s29+$0xFFFFFFD8], $0xff;
	_ =	sdelay $0x4  }
0xc9: {  	v3 =	vshll.u32 v2, $0x3  }
0xca: {  	v2 =	vand.u32 $0x7, v2;
	v3 =	vand.u32 $0xFFFFFFC0, v3  }
0xcb: {  	v2 =	vor.u32 v2, v3  }
0xcc: {  	v2 =	vperm.xlane v2, v0;
	_ =	sdelay $0x1  }
0xcd: {  	v2 =	vadd.s32 v1, v2;
	_ =	sdelay $0x3  }
0xce: {  	s9 =	simm.s32 $0x4400  }
0xcf: {  	[tilespmem:s9], [sflag:$0x3] =	stream.indirect_vreg.gather [hbm4b:s2+s3], $0x80, v2, vm0, $0xb8;
	[tilespmem:$0x10400] =	vst v63  }
0xd0: {  	s19 =	simm.s32 $0x4C00  }
0xd1: {  	[tilespmem:s19], [sflag:$0x3] =	stream.indirect_vreg.gather [hbm4b:s5+s3], $0x80, v2, vm0, $0xb8;
	[tilespmem:$0x10400] =	vst v63  }
0xd2: {  	s22 =	simm.s32 $0x5400  }
0xd3: {  	[tilespmem:s22], [sflag:$0x3] =	stream.indirect_vreg.gather [hbm4b:s6+s3], $0x80, v2, vm0, $0xb8;
	[tilespmem:$0x10400] =	vst v63  }
0xd4: {  	s26 =	simm.s32 $0x5C00  }
0xd5: {  	[tilespmem:s26], [sflag:$0x3] =	stream.indirect_vreg.gather [hbm4b:s7+s3], $0x80, v2, vm0, $0xb8;
	[tilespmem:$0x10400] =	vst v63  }
0xd6: {  	_ =	swait.ge [sflag:s8], $0x2000  }
0xd7: {  	[sflag:s8] =	ssyncset.done $0x0  }
0xd8: {  	s14 =	sadd.s32 $0x1800, s18;
	s17 =	simm.s32 $0xC400;
	[sflag:s8] =	ssyncadd.s32 $0xFFFFE000  }
0xd9: {  	[hbm4b:s14+s3] =	stream.linear.scatter [tilespmem:s17], [sflag:$0xF], $0x2000, $0x38;
	[tilespmem:$0x10400] =	vst v63  }
0xda: {  	_ =	swait.ge [sflag:s20], $0x2000  }
0xdb: {  	[sflag:s20] =	ssyncset.done $0x0  }
0xdc: {  	[sflag:s20] =	ssyncadd.s32 $0xFFFFE000  }
0xdd: {  	v2 =	vld.msk [tilespmem:s29+$0xFFFFFFE0], $0xff;
	_ =	sdelay $0x4  }
0xde: {  	v3 =	vshll.u32 v2, $0x3  }
0xdf: {  	v2 =	vand.u32 $0x7, v2;
	v3 =	vand.u32 $0xFFFFFFC0, v3  }
0xe0: {  	v2 =	vor.u32 v2, v3  }
0xe1: {  	v2 =	vperm.xlane v2, v0;
	_ =	sdelay $0x1  }
0xe2: {  	v2 =	vadd.s32 v1, v2;
	_ =	sdelay $0x3  }
0xe3: {  	s26 =	simm.s32 $0x6400  }
0xe4: {  	[tilespmem:s26], [sflag:$0x4] =	stream.indirect_vreg.gather [hbm4b:s2+s3], $0x80, v2, vm0, $0xb8;
	[tilespmem:$0x10400] =	vst v63  }
0xe5: {  	s19 =	simm.s32 $0x6C00  }
0xe6: {  	[tilespmem:s19], [sflag:$0x4] =	stream.indirect_vreg.gather [hbm4b:s5+s3], $0x80, v2, vm0, $0xb8;
	[tilespmem:$0x10400] =	vst v63  }
0xe7: {  	s22 =	simm.s32 $0x7400  }
0xe8: {  	[tilespmem:s22], [sflag:$0x4] =	stream.indirect_vreg.gather [hbm4b:s6+s3], $0x80, v2, vm0, $0xb8;
	[tilespmem:$0x10400] =	vst v63  }
0xe9: {  	s14 =	simm.s32 $0x7C00  }
0xea: {  	[tilespmem:s14], [sflag:$0x4] =	stream.indirect_vreg.gather [hbm4b:s7+s3], $0x80, v2, vm0, $0xb8;
	[tilespmem:$0x10400] =	vst v63  }
0xeb: {  	_ =	swait.ge [sflag:s21], $0x2000  }
0xec: {  	s1 =	simm.s32 $0xE400;
	[sflag:s21] =	ssyncset.done $0x0  }
0xed: {  	s19 =	sadd.s32 $0x1C00, s18;
	s14 =	simm.s32 $0xD;
	[sflag:s21] =	ssyncadd.s32 $0xFFFFE000  }
0xee: {  	[hbm4b:s19+s3] =	stream.linear.scatter [tilespmem:s1], [sflag:$0x10], $0x2000, $0x38;
	[tilespmem:$0x10400] =	vst v63  }
0xef: {  	_ =	swait.ge [sflag:s14], $0x2000  }
0xf0: {  	[sflag:s14] =	ssyncset.done $0x0  }
0xf1: {  	[sflag:s14] =	ssyncadd.s32 $0xFFFFE000  }
0xf2: {  	v2 =	vld.msk [tilespmem:s29+$0xFFFFFFE8], $0xff;
	_ =	sdelay $0x4  }
0xf3: {  	v3 =	vshll.u32 v2, $0x3  }
0xf4: {  	v2 =	vand.u32 $0x7, v2;
	v3 =	vand.u32 $0xFFFFFFC0, v3  }
0xf5: {  	v2 =	vor.u32 v2, v3  }
0xf6: {  	v2 =	vperm.xlane v2, v0;
	_ =	sdelay $0x1  }
0xf7: {  	v2 =	vadd.s32 v1, v2;
	_ =	sdelay $0x4  }
0xf8: {  	[tilespmem:s25], [sflag:$0x5] =	stream.indirect_vreg.gather [hbm4b:s2+s3], $0x80, v2, vm0, $0xb8;
	[tilespmem:$0x10400] =	vst v63  }
0xf9: {  	s25 =	simm.s32 $0x8C00  }
0xfa: {  	[tilespmem:s25], [sflag:$0x5] =	stream.indirect_vreg.gather [hbm4b:s5+s3], $0x80, v2, vm0, $0xb8;
	[tilespmem:$0x10400] =	vst v63  }
0xfb: {  	s22 =	simm.s32 $0x9400  }
0xfc: {  	[tilespmem:s22], [sflag:$0x5] =	stream.indirect_vreg.gather [hbm4b:s6+s3], $0x80, v2, vm0, $0xb8;
	[tilespmem:$0x10400] =	vst v63  }
0xfd: {  	s22 =	simm.s32 $0x9C00  }
0xfe: {  	[tilespmem:s22], [sflag:$0x5] =	stream.indirect_vreg.gather [hbm4b:s7+s3], $0x80, v2, vm0, $0xb8;
	[tilespmem:$0x10400] =	vst v63  }
0xff: {  	_ =	swait.ge [sflag:s31], $0x2000  }
0x100: {  	[sflag:s31] =	ssyncset.done $0x0  }
0x101: {  	s14 =	sadd.s32 $0x2000, s18;
	s22 =	simm.s32 $0xE;
	[sflag:s31] =	ssyncadd.s32 $0xFFFFE000  }
0x102: {  	[hbm4b:s14+s3] =	stream.linear.scatter [tilespmem:s28], [sflag:$0x9], $0x2000, $0x38;
	[tilespmem:$0x10400] =	vst v63  }
0x103: {  	_ =	swait.ge [sflag:s22], $0x2000  }
0x104: {  	[sflag:s22] =	ssyncset.done $0x0  }
0x105: {  	[sflag:s22] =	ssyncadd.s32 $0xFFFFE000  }
0x106: {  	v2 =	vld.msk [tilespmem:s29+$0xFFFFFFF0], $0xff;
	_ =	sdelay $0x4  }
0x107: {  	v3 =	vshll.u32 v2, $0x3  }
0x108: {  	v2 =	vand.u32 $0x7, v2;
	v3 =	vand.u32 $0xFFFFFFC0, v3  }
0x109: {  	v2 =	vor.u32 v2, v3  }
0x10a: {  	v2 =	vperm.xlane v2, v0;
	_ =	sdelay $0x1  }
0x10b: {  	v2 =	vadd.s32 v1, v2;
	_ =	sdelay $0x4  }
0x10c: {  	[tilespmem:s13], [sflag:$0x6] =	stream.indirect_vreg.gather [hbm4b:s2+s3], $0x80, v2, vm0, $0xb8;
	[tilespmem:$0x10400] =	vst v63  }
0x10d: {  	s22 =	simm.s32 $0xAC00  }
0x10e: {  	[tilespmem:s22], [sflag:$0x6] =	stream.indirect_vreg.gather [hbm4b:s5+s3], $0x80, v2, vm0, $0xb8;
	[tilespmem:$0x10400] =	vst v63  }
0x10f: {  	s22 =	simm.s32 $0xB400  }
0x110: {  	[tilespmem:s22], [sflag:$0x6] =	stream.indirect_vreg.gather [hbm4b:s6+s3], $0x80, v2, vm0, $0xb8;
	[tilespmem:$0x10400] =	vst v63  }
0x111: {  	s22 =	simm.s32 $0xBC00  }
0x112: {  	[tilespmem:s22], [sflag:$0x6] =	stream.indirect_vreg.gather [hbm4b:s7+s3], $0x80, v2, vm0, $0xb8;
	[tilespmem:$0x10400] =	vst v63  }
0x113: {  	_ =	swait.ge [sflag:s24], $0x2000  }
0x114: {  	[sflag:s24] =	ssyncset.done $0x0  }
0x115: {  	s13 =	sadd.s32 $0x2400, s18;
	s22 =	simm.s32 $0xF;
	[sflag:s24] =	ssyncadd.s32 $0xFFFFE000  }
0x116: {  	[hbm4b:s13+s3] =	stream.linear.scatter [tilespmem:s23], [sflag:$0xA], $0x2000, $0x38;
	[tilespmem:$0x10400] =	vst v63  }
0x117: {  	_ =	swait.ge [sflag:s22], $0x2000  }
0x118: {  	[sflag:s22] =	ssyncset.done $0x0  }
0x119: {  	[sflag:s22] =	ssyncadd.s32 $0xFFFFE000  }
0x11a: {  	v2 =	vld.msk [tilespmem:s29+$0xFFFFFFF8], $0xff;
	_ =	sdelay $0x4  }
0x11b: {  	v3 =	vshll.u32 v2, $0x3  }
0x11c: {  	v2 =	vand.u32 $0x7, v2;
	v3 =	vand.u32 $0xFFFFFFC0, v3  }
0x11d: {  	v2 =	vor.u32 v2, v3  }
0x11e: {  	v2 =	vperm.xlane v2, v0;
	_ =	sdelay $0x1  }
0x11f: {  	v2 =	vadd.s32 v1, v2;
	_ =	sdelay $0x4  }
0x120: {  	[tilespmem:s17], [sflag:$0x7] =	stream.indirect_vreg.gather [hbm4b:s2+s3], $0x80, v2, vm0, $0xb8;
	[tilespmem:$0x10400] =	vst v63  }
0x121: {  	s22 =	simm.s32 $0xCC00  }
0x122: {  	[tilespmem:s22], [sflag:$0x7] =	stream.indirect_vreg.gather [hbm4b:s5+s3], $0x80, v2, vm0, $0xb8;
	[tilespmem:$0x10400] =	vst v63  }
0x123: {  	s22 =	simm.s32 $0xD400  }
0x124: {  	[tilespmem:s22], [sflag:$0x7] =	stream.indirect_vreg.gather [hbm4b:s6+s3], $0x80, v2, vm0, $0xb8;
	[tilespmem:$0x10400] =	vst v63  }
0x125: {  	s22 =	simm.s32 $0xDC00  }
0x126: {  	[tilespmem:s22], [sflag:$0x7] =	stream.indirect_vreg.gather [hbm4b:s7+s3], $0x80, v2, vm0, $0xb8;
	[tilespmem:$0x10400] =	vst v63  }
0x127: {  	_ =	swait.ge [sflag:s0], $0x2000  }
0x128: {  	[sflag:s0] =	ssyncset.done $0x0  }
0x129: {  	s17 =	sadd.s32 $0x2800, s18;
	s22 =	simm.s32 $0x10;
	[sflag:s0] =	ssyncadd.s32 $0xFFFFE000  }
0x12a: {  	[hbm4b:s17+s3] =	stream.linear.scatter [tilespmem:s9], [sflag:$0xB], $0x2000, $0x38;
	[tilespmem:$0x10400] =	vst v63  }
0x12b: {  	_ =	swait.ge [sflag:s22], $0x2000  }
0x12c: {  	[sflag:s22] =	ssyncset.done $0x0  }
0x12d: {  	[sflag:s22] =	ssyncadd.s32 $0xFFFFE000  }
0x12e: {  	v2 =	vld.msk [tilespmem:s29+$0x0], $0xff;
	_ =	sdelay $0x4  }
0x12f: {  	v3 =	vshll.u32 v2, $0x3  }
0x130: {  	v2 =	vand.u32 $0x7, v2;
	v3 =	vand.u32 $0xFFFFFFC0, v3  }
0x131: {  	v2 =	vor.u32 v2, v3  }
0x132: {  	v2 =	vperm.xlane v2, v0;
	_ =	sdelay $0x1  }
0x133: {  	v2 =	vadd.s32 v1, v2;
	_ =	sdelay $0x4  }
0x134: {  	[tilespmem:s1], [sflag:$0x8] =	stream.indirect_vreg.gather [hbm4b:s2+s3], $0x80, v2, vm0, $0xb8;
	[tilespmem:$0x10400] =	vst v63  }
0x135: {  	s1 =	simm.s32 $0xEC00  }
0x136: {  	[tilespmem:s1], [sflag:$0x8] =	stream.indirect_vreg.gather [hbm4b:s5+s3], $0x80, v2, vm0, $0xb8;
	[tilespmem:$0x10400] =	vst v63  }
0x137: {  	s17 =	simm.s32 $0xF400  }
0x138: {  	[tilespmem:s17], [sflag:$0x8] =	stream.indirect_vreg.gather [hbm4b:s6+s3], $0x80, v2, vm0, $0xb8;
	[tilespmem:$0x10400] =	vst v63  }
0x139: {  	p0 =	sne.s32 s30, $0x1C000;
	s17 =	simm.s32 $0xFC00  }
0x13a: {  	[tilespmem:s17], [sflag:$0x8] =	stream.indirect_vreg.gather [hbm4b:s7+s3], $0x80, v2, vm0, $0xb8;
	[tilespmem:$0x10400] =	vst v63  }
.Ltmp0:
0x13b: {  	s30 =	sadd.s32 $0x2000, s30;
	(pc) =	sbr.rel @p0 .LBB2_2-.Ltmp0, $4  }
0x13c: {  	s19 =	simm.s32 $0x8400;
	s14 =	simm.s32 $0xA400;
	_ =	swait.ge [sflag:s4], $0x2000  }
0x13d: {  	s13 =	simm.s32 $0xC400;
	s18 =	sadd.s32 $0x2C00, s18;
	[sflag:s4] =	ssyncset.done $0x0  }
0x13e: {  	s22 =	simm.s32 $0xE400;
	s29 =	sadd.s32 $0x40, s29;
	[sflag:s4] =	ssyncadd.s32 $0xFFFFE000  }
0x13f: {  	[hbm4b:s18+s3] =	stream.linear.scatter [tilespmem:s26], [sflag:$0xC], $0x2000, $0x38;
	[tilespmem:$0x10400] =	vst v63  }
0x140: {  	_ =	swait.ge [sflag:s10], $0x2000  }
0x141: {  	[sflag:s10] =	ssyncset.done $0x0  }
0x142: {  	[sflag:s10] =	ssyncadd.s32 $0xFFFFE000  }
0x143: {  	_ =	swait.ge [sflag:s11], $0x2000  }
0x144: {  	[sflag:s11] =	ssyncset.done $0x0  }
0x145: {  	s18 =	rddreg [dreg:$0xa];
	[sflag:s11] =	ssyncadd.s32 $0xFFFFE000  }
0x146: {  	[hbm4b:s18+s3] =	stream.linear.scatter [tilespmem:s19], [sflag:$0xD], $0x2000, $0x38;
	[tilespmem:$0x10400] =	vst v63  }
0x147: {  	_ =	swait.ge [sflag:s12], $0x2000  }
0x148: {  	[sflag:s12] =	ssyncset.done $0x0  }
0x149: {  	[sflag:s12] =	ssyncadd.s32 $0xFFFFE000  }
0x14a: {  	_ =	swait.ge [sflag:s15], $0x2000  }
0x14b: {  	[sflag:s15] =	ssyncset.done $0x0  }
0x14c: {  	s4 =	rddreg [dreg:$0xb];
	[sflag:s15] =	ssyncadd.s32 $0xFFFFE000  }
0x14d: {  	[hbm4b:s4+s3] =	stream.linear.scatter [tilespmem:s14], [sflag:$0xE], $0x2000, $0x38;
	[tilespmem:$0x10400] =	vst v63  }
0x14e: {  	_ =	swait.ge [sflag:s16], $0x2000  }
0x14f: {  	[sflag:s16] =	ssyncset.done $0x0  }
0x150: {  	[sflag:s16] =	ssyncadd.s32 $0xFFFFE000  }
0x151: {  	_ =	swait.ge [sflag:s8], $0x2000  }
0x152: {  	[sflag:s8] =	ssyncset.done $0x0  }
0x153: {  	s9 =	rddreg [dreg:$0xc];
	[sflag:s8] =	ssyncadd.s32 $0xFFFFE000  }
0x154: {  	[hbm4b:s9+s3] =	stream.linear.scatter [tilespmem:s13], [sflag:$0xF], $0x2000, $0x38;
	[tilespmem:$0x10400] =	vst v63  }
0x155: {  	_ =	swait.ge [sflag:s20], $0x2000  }
0x156: {  	[sflag:s20] =	ssyncset.done $0x0  }
0x157: {  	[sflag:s20] =	ssyncadd.s32 $0xFFFFE000  }
0x158: {  	_ =	swait.ge [sflag:s21], $0x2000  }
0x159: {  	[sflag:s21] =	ssyncset.done $0x0  }
0x15a: {  	s0 =	simm.s32 $0xD;
	s10 =	rddreg [dreg:$0xd];
	[sflag:s21] =	ssyncadd.s32 $0xFFFFE000  }
0x15b: {  	[hbm4b:s10+s3] =	stream.linear.scatter [tilespmem:s22], [sflag:$0x10], $0x2000, $0x38;
	[tilespmem:$0x10400] =	vst v63  }
0x15c: {  	_ =	swait.ge [sflag:s0], $0x2000  }
0x15d: {  	[sflag:s0] =	ssyncset.done $0x0  }
0x15e: {  	s11 =	simm.s32 $0xE;
	[sflag:s0] =	ssyncadd.s32 $0xFFFFE000  }
0x15f: {  	_ =	swait.ge [sflag:s11], $0x2000  }
0x160: {  	[sflag:s11] =	ssyncset.done $0x0  }
0x161: {  	s12 =	simm.s32 $0xF;
	[sflag:s11] =	ssyncadd.s32 $0xFFFFE000  }
0x162: {  	_ =	swait.ge [sflag:s12], $0x2000  }
0x163: {  	[sflag:s12] =	ssyncset.done $0x0  }
0x164: {  	s17 =	simm.s32 $0x10;
	[sflag:s12] =	ssyncadd.s32 $0xFFFFE000  }
0x165: {  	_ =	swait.ge [sflag:s17], $0x2000  }
0x166: {  	s24 =	rddreg [dreg:$0xf]  }
0x167: {  	s26 =	rddreg [dreg:$0xe];
	s8 =	sadd.s32 $0x1, s24  }
0x168: {  	p0 =	sne.s32 s8, s26  }
.Ltmp1:
0x169: {  	s29 =	simm.s32 $0x1C00;
	(pc) =	sbr.rel @p0 .LBB2_1-.Ltmp1, $4  }
0x16a: {  	s31 =	simm.s32 $0x2C00;
	s30 =	simm.s32 $0x1;
	s4 =	simm.s32 $0xFC00  }
0x16b: {  	s9 =	simm.s32 $0x1400;
	s0 =	simm.s32 $0xDC00;
	[sflag:s17] =	ssyncset.done $0x0  }
0x16c: {  	s11 =	simm.s32 $0x2400;
	s12 =	simm.s32 $0xCC00;
	[sflag:s17] =	ssyncadd.s32 $0xFFFFE000  }
0x16d: {  	s24 =	simm.s32 $0x400;
	s17 =	simm.s32 $0x2;
	s26 =	simm.s32 $0xC00  }
0x16e: {  	_ =	sfence.sel $0x180000  }
0x16f: {  	[bflag:$0x0] =	sbarrier.arrive $0xFFFF  }
0x170: {  	_ =	strace $0x90000047  }
0x171: {  	s0 =	stileid.u32;
	[bflag:$0x2] =	sbarrier.arrive $0xFFFF  }
0x172: {  	p0 =	sne.s32 s0, $0x0;
	s0 =	rddreg [dreg:$0x3]  }
0x173: {  	s0 =	sadd.s32 @!p0 $0x100000, s0  }
0x174: {  	[sflag:s0] =	ssyncadd.tile.s32 @!p0 $0x1;
	_ =	shalt  }
.Lfunc_end2:
_tile_overlayer_lowered:
.L_overlay_start_2:
0x175: {  	(tag) =	ssettag $0x2  }
0x176: {  	s0 =	rddreg [dreg:$0x0];
	s2 =	stileid.u32  }
0x177: {  	s1 =	rddreg [dreg:$0x1];
	p0 =	sne.s32 s2, $0x0  }
0x178: {  	s3 =	rddreg [dreg:$0x2];
	[bflag:$0x3] =	sbarrier.arrive $0xFFFF;
	s2 =	simm.s32 @!p0 $0x1C11  }
0x179: {  	[timem:s3], [sflag:s2] =	dma.local @!p0 [hbm:s0], s1  }
0x17a: {  	s0 =	simm.s32 @!p0 $0x11  }
0x17b: {  	_ =	swait.ge @!p0 [sflag:s0], s1  }
0x17c: {  	s1 =	ssub.s32 @!p0 $0x0, s1;
	[sflag:s0] =	ssyncset.done @!p0 $0x0  }
0x17d: {  	[sflag:s0] =	ssyncadd.s32 @!p0 s1  }
0x17e: {  	[bflag:$0x3] =	sbarrier.arrive $0xFFFF  }
0x17f: {  	_ =	shalt  }

</sc_bundles>
